<compile_context>
chip_gen: v7x
topology: tpu7x:2x2x1
jax: 0.10.2.dev20260603
libtpu: 0.0.44.dev20260713+nightly
codegen_flags: <defaults>
</compile_context>

<pallas_src>
import functools

import jax
import jax.numpy as jnp
from jax import lax
from jax.experimental import pallas as pl
from jax.experimental.pallas import tpu as pltpu
from jax.experimental.pallas import tpu_sc as plsc

B = 4096
S = 200
D = 32
NUM_ROWS = 100000

NC = 2
NS = 16
HALF = NUM_ROWS // NC
RPT = B // NS
CB = 2
CHUNKS = RPT // CB
NEC = CB * S
NGRP = NEC // 16
IDXC = 528
NROW = 512


def _body(x_hbm, w_hbm, out_hbm,
          idx_r, idx_c, rows_v, outst_v, shared_w,
          sem_in, sem_g, sem_out):
    c = lax.axis_index("c")
    sid = lax.axis_index("s")
    base = sid * RPT
    hbase = c * HALF

    @pl.when(sid == 0)
    def _stage():
        pltpu.sync_copy(w_hbm.at[pl.ds(hbase, HALF)], shared_w)

    plsc.subcore_barrier()

    inv_s = jnp.float32(1.0 / S)
    zero16i = jnp.zeros((16,), jnp.int32)
    zero16f = jnp.zeros((16,), jnp.float32)
    lo8 = lax.iota(jnp.int32, 16) < 8
    uhalf = jnp.uint32(HALF)

    e00 = base * S
    pltpu.async_copy(x_hbm.at[pl.ds(e00, NEC)], idx_r.at[pl.ds(0, NEC)],
                     sem_in)

    def chunk_body(g, carry):
        row0 = base + g * CB
        e0 = row0 * S
        pltpu.make_async_copy(x_hbm.at[pl.ds(e0, NEC)],
                              idx_r.at[pl.ds(0, NEC)], sem_in).wait()

        off = jnp.int32(0)
        bounds = [off]
        for grp in range(NGRP):
            e = grp * 16
            i16 = idx_r[pl.ds(e, 16)] - hbase
            keep = i16.astype(jnp.uint32) < uhalf
            if grp == 12:
                ka = keep & lo8
                plsc.store_compressed(idx_c.at[pl.ds(off, 16)], i16, mask=ka)
                off = off + plsc.all_reduce_population_count(ka)[0]
                bounds.append(off)
                kb = keep & (~lo8)
                plsc.store_compressed(idx_c.at[pl.ds(off, 16)], i16, mask=kb)
                off = off + plsc.all_reduce_population_count(kb)[0]
            else:
                plsc.store_compressed(idx_c.at[pl.ds(off, 16)], i16,
                                      mask=keep)
                off = off + plsc.all_reduce_population_count(keep)[0]
        bounds.append(off)

        @pl.when(g < CHUNKS - 1)
        def _prefetch():
            en = e0 + NEC
            pltpu.async_copy(x_hbm.at[pl.ds(en, NEC)],
                             idx_r.at[pl.ds(0, NEC)], sem_in)

        for t in range(8):
            idx_c[pl.ds(off + t * 16, 16)] = zero16i

        ngrp = (off + 127) // 128

        def gbody(k, carry2):
            pltpu.async_copy(shared_w.at[idx_c.at[pl.ds(k * 128, 128)]],
                             rows_v.at[pl.ds(k * 128, 128)], sem_g).wait()
            return carry2

        lax.fori_loop(0, ngrp, gbody, 0)

        @pl.when(g > 0)
        def _drain():
            pltpu.make_async_copy(outst_v, out_hbm.at[c, pl.ds(row0, CB)],
                                  sem_out).wait()

        for j in range(CB):
            lo = bounds[j]
            hi = bounds[j + 1]
            n4 = lo + ((hi - lo) // 4) * 4

            def srow4(i, accs):
                a0, a1 = accs
                t = lo + i * 4
                a0 = (a0 + rows_v[t, pl.ds(0, 16)]
                      + rows_v[t + 1, pl.ds(0, 16)]
                      + rows_v[t + 2, pl.ds(0, 16)]
                      + rows_v[t + 3, pl.ds(0, 16)])
                a1 = (a1 + rows_v[t, pl.ds(16, 16)]
                      + rows_v[t + 1, pl.ds(16, 16)]
                      + rows_v[t + 2, pl.ds(16, 16)]
                      + rows_v[t + 3, pl.ds(16, 16)])
                return a0, a1

            def srow1(t, accs):
                a0, a1 = accs
                return (a0 + rows_v[t, pl.ds(0, 16)],
                        a1 + rows_v[t, pl.ds(16, 16)])

            accs = lax.fori_loop(0, (hi - lo) // 4, srow4,
                                 (zero16f, zero16f))
            a0, a1 = lax.fori_loop(n4, hi, srow1, accs)
            outst_v[j, pl.ds(0, 16)] = a0 * inv_s
            outst_v[j, pl.ds(16, 16)] = a1 * inv_s

        pltpu.async_copy(outst_v, out_hbm.at[c, pl.ds(row0, CB)], sem_out)
        return carry

    lax.fori_loop(0, CHUNKS, chunk_body, 0)
    pltpu.make_async_copy(outst_v, out_hbm.at[c, pl.ds(base, CB)],
                          sem_out).wait()


def _combine_body(p_ref, o_ref):
    o_ref[...] = p_ref[0] + p_ref[1]


@jax.jit
def _run(x, w):
    mesh = plsc.VectorSubcoreMesh(core_axis_name="c", subcore_axis_name="s")
    f = pl.kernel(
        _body,
        out_type=jax.ShapeDtypeStruct((NC, B, D), jnp.float32),
        mesh=mesh,
        compiler_params=pltpu.CompilerParams(
            needs_layout_passes=False, use_tc_tiling_on_sc=False),
        scratch_types=[
            pltpu.VMEM((NEC,), jnp.int32),
            pltpu.VMEM((IDXC,), jnp.int32),
            pltpu.VMEM((NROW, D), jnp.float32),
            pltpu.VMEM((CB, D), jnp.float32),
            pltpu.VMEM_SHARED((HALF, D), jnp.float32),
            pltpu.SemaphoreType.DMA,
            pltpu.SemaphoreType.DMA,
            pltpu.SemaphoreType.DMA,
        ],
    )
    partial = f(x, w)
    return pl.pallas_call(
        _combine_body,
        out_shape=jax.ShapeDtypeStruct((B, D), jnp.float32),
    )(partial)


def kernel(x, mask, W):
    xm = jnp.where(mask.reshape(B * S), x.reshape(B * S), -1)
    return _run(xm, W)

# --- scband reference (transcript-rebuilt; emitter-appended) ---
"""Pipeline reference for scband-mutation-embedding-85409719648621 (READ-ONLY COPY).

The authoritative reference and input builder live on the scoring server;
editing this copy changes nothing except your own understanding.
"""

import jax, jax.numpy as jnp
import numpy as np

NUM_MUTATIONS = 100000
EMBED_DIM = 32
BATCH = 4096
SEQ = 200

def setup_inputs(seed: int = 0) -> dict:
    key = jax.random.key(seed)
    k1, k2, k3 = jax.random.split(key, 3)
    x = jax.random.randint(k1, (BATCH, SEQ), 0, NUM_MUTATIONS, dtype=jnp.int64 if jax.config.jax_enable_x64 else jnp.int32)
    mask = jax.random.randint(k2, (BATCH, SEQ), 0, 2).astype(jnp.bool_)
    W = jax.random.normal(k3, (NUM_MUTATIONS, EMBED_DIM), dtype=jnp.float32)
    return {"x": x, "mask": mask, "W": W}

def reference(x, mask, W):
    # embedding lookup: gather rows of W
    emb = jnp.take(W, x, axis=0)  # (B, S, D)
    # apply mask (bool -> broadcast multiply, matching torch semantics)
    emb = emb * mask[..., None].astype(emb.dtype)
    # mean over the mutation/sequence dimension
    out = jnp.mean(emb, axis=1)  # (B, D)
    # dropout is identity in eval mode
    return out

if __name__ == "__main__":
    import jax
    _d = setup_inputs()
    print(jax.jit(kernel)(*tuple(_d.values())))

</pallas_src>

<mosaic_0001>
#map = affine_map<(d0, d1) -> (0)>
#map1 = affine_map<(d0, d1) -> (0, 0)>
#map2 = affine_map<(d0, d1) -> (0, 0, 0)>
module attributes {stable_mosaic.version = 14 : i64} {
  func.func @_body(%arg0: i32, %arg1: i32, %arg2: memref<819200xi32, #tpu.memory_space<hbm>>, %arg3: memref<100000x32xf32, #tpu.memory_space<hbm>>, %arg4: memref<2x4096x32xf32, #tpu.memory_space<hbm>>, %arg5: memref<400xi32, #tpu.memory_space<vmem>>, %arg6: memref<528xi32, #tpu.memory_space<vmem>>, %arg7: memref<512x32xf32, #tpu.memory_space<vmem>>, %arg8: memref<2x32xf32, #tpu.memory_space<vmem>>, %arg9: memref<50000x32xf32, #tpu.memory_space<vmem_shared>>, %arg10: memref<!tpu.dma_semaphore, #tpu.memory_space<semaphore_mem>>, %arg11: memref<!tpu.dma_semaphore, #tpu.memory_space<semaphore_mem>>, %arg12: memref<!tpu.dma_semaphore, #tpu.memory_space<semaphore_mem>>) attributes {dimension_semantics = [#tpu.dimension_semantics<core_parallel>, #tpu.dimension_semantics<subcore_parallel>], iteration_bounds = array<i64: 2, 16>, scalar_prefetch = 0 : i64, scratch_operands = 8 : i64, tpu.core_type = #tpu.core_type<sc_vector_subcore>, window_params = [{transform_indices = #map}, {transform_indices = #map1}, {transform_indices = #map2}]} {
    %mul3A = arith.constant 256 : i32
    %mul3A_0 = arith.muli %arg1, %mul3A : i32
    %mul3A_1 = arith.constant 50000 : i32
    %mul3A_2 = arith.muli %arg0, %mul3A_1 : i32
    %eq3A = arith.constant 0 : i32
    %eq3A_3 = arith.cmpi eq, %arg1, %eq3A : i32
    %convert_element_type3A = arith.extui %eq3A_3 : i1 to i32
    %cond3A = arith.constant 0 : i32
    %cond3A_4 = arith.cmpi ne, %convert_element_type3A, %cond3A : i32
    scf.if %cond3A_4 {
      "tpu.region"() ({
        %run_scoped3A = tpu.sem_alloc : memref<!tpu.dma_semaphore, #tpu.memory_space<semaphore_mem>>
        %dma_start3A_29 = arith.constant 0 : i32
        %dma_start3A_30 = tpu.memref_slice %arg3[%mul3A_2, %dma_start3A_29] : memref<100000x32xf32, #tpu.memory_space<hbm>> -> memref<50000x32xf32, #tpu.memory_space<hbm>>
        tpu.enqueue_dma source(%dma_start3A_30 : memref<50000x32xf32, #tpu.memory_space<hbm>>) target(%arg9 : memref<50000x32xf32, #tpu.memory_space<vmem_shared>>) target_semaphore(%run_scoped3A : memref<!tpu.dma_semaphore, #tpu.memory_space<semaphore_mem>>)
        %dma_wait3A_31 = arith.constant 0 : i32
        %dma_wait3A_32 = tpu.memref_slice %arg3[%mul3A_2, %dma_wait3A_31] : memref<100000x32xf32, #tpu.memory_space<hbm>> -> memref<50000x32xf32, #tpu.memory_space<hbm>>
        tpu.wait_dma2 semaphore(%run_scoped3A : memref<!tpu.dma_semaphore, #tpu.memory_space<semaphore_mem>>) src(%dma_wait3A_32 : memref<50000x32xf32, #tpu.memory_space<hbm>>) dst(%arg9 : memref<50000x32xf32, #tpu.memory_space<vmem_shared>>)
        tpu.yield
      }) : () -> ()
    } else {
    }
    %barrier3A = arith.constant 0 : index
    tpu.barrier barrier_id(%barrier3A)
    %broadcast_in_dim3A = arith.constant 0 : i32
    %broadcast_in_dim3A_5 = vector.broadcast %broadcast_in_dim3A : i32 to vector<16xi32>
    %broadcast_in_dim3A_6 = arith.constant 0.000000e+00 : f32
    %broadcast_in_dim3A_7 = vector.broadcast %broadcast_in_dim3A_6 : f32 to vector<16xf32>
    %iota3A = tpu.iota {dimensions = array<i32: 0>} : vector<16xi32>
    %lt3A = arith.constant 8 : i32
    %lt3A_8 = vector.broadcast %lt3A : i32 to vector<16xi32>
    %lt3A_9 = arith.cmpi slt, %iota3A, %lt3A_8 : vector<16xi32>
    %mul3A_10 = arith.constant 200 : i32
    %mul3A_11 = arith.muli %mul3A_0, %mul3A_10 : i32
    %dma_start3A = arith.constant 0 : i32
    %dma_start3A_12 = tpu.memref_slice %arg5[%dma_start3A] : memref<400xi32, #tpu.memory_space<vmem>> -> memref<400xi32, #tpu.memory_space<vmem>>
    %dma_start3A_13 = tpu.memref_slice %arg2[%mul3A_11] : memref<819200xi32, #tpu.memory_space<hbm>> -> memref<400xi32, #tpu.memory_space<hbm>>
    %dma_start3A_14 = arith.constant 0 : i32
    %dma_start3A_15 = tpu.memref_slice %arg5[%dma_start3A_14] : memref<400xi32, #tpu.memory_space<vmem>> -> memref<400xi32, #tpu.memory_space<vmem>>
    %dma_start3A_16 = tpu.memref_slice %arg2[%mul3A_11] : memref<819200xi32, #tpu.memory_space<hbm>> -> memref<400xi32, #tpu.memory_space<hbm>>
    tpu.enqueue_dma source(%dma_start3A_16 : memref<400xi32, #tpu.memory_space<hbm>>) target(%dma_start3A_15 : memref<400xi32, #tpu.memory_space<vmem>>) target_semaphore(%arg10 : memref<!tpu.dma_semaphore, #tpu.memory_space<semaphore_mem>>)
    %scan3A = arith.constant 0 : i32
    %scan3A_17 = arith.constant 50000 : i32
    %scan3A_18 = arith.constant 5.000000e-03 : f32
    %scan3A_19 = arith.constant 0 : i32
    %scan3A_20 = arith.constant 128 : i32
    %scan3A_21 = arith.addi %scan3A_19, %scan3A_20 : i32
    %scan3A_22 = arith.constant 1 : i32
    scf.for %scan3A_29 = %scan3A_19 to %scan3A_21 step %scan3A_22  : i32 {
      %mul3A_30 = arith.constant 2 : i32
      %mul3A_31 = arith.muli %scan3A_29, %mul3A_30 : i32
      %add3A = arith.addi %mul3A_0, %mul3A_31 : i32
      %mul3A_32 = arith.constant 200 : i32
      %mul3A_33 = arith.muli %add3A, %mul3A_32 : i32
      %dma_wait3A_34 = arith.constant 0 : i32
      %dma_wait3A_35 = tpu.memref_slice %arg5[%dma_wait3A_34] : memref<400xi32, #tpu.memory_space<vmem>> -> memref<400xi32, #tpu.memory_space<vmem>>
      %dma_wait3A_36 = tpu.memref_slice %arg2[%mul3A_33] : memref<819200xi32, #tpu.memory_space<hbm>> -> memref<400xi32, #tpu.memory_space<hbm>>
      %dma_wait3A_37 = arith.constant 0 : i32
      %dma_wait3A_38 = tpu.memref_slice %arg5[%dma_wait3A_37] : memref<400xi32, #tpu.memory_space<vmem>> -> memref<400xi32, #tpu.memory_space<vmem>>
      %dma_wait3A_39 = tpu.memref_slice %arg2[%mul3A_33] : memref<819200xi32, #tpu.memory_space<hbm>> -> memref<400xi32, #tpu.memory_space<hbm>>
      tpu.wait_dma2 semaphore(%arg10 : memref<!tpu.dma_semaphore, #tpu.memory_space<semaphore_mem>>) src(%dma_wait3A_39 : memref<400xi32, #tpu.memory_space<hbm>>) dst(%dma_wait3A_38 : memref<400xi32, #tpu.memory_space<vmem>>)
      %get3A = arith.constant 0 : index
      %get3A_40 = tpu.vector_load %arg5[%get3A] {strides = array<i32>} : memref<400xi32, #tpu.memory_space<vmem>>, vector<16xi32>,
      %sub3A = vector.broadcast %mul3A_2 : i32 to vector<16xi32>
      %sub3A_41 = arith.subi %get3A_40, %sub3A : vector<16xi32>
      %lt3A_42 = vector.broadcast %scan3A_17 : i32 to vector<16xi32>
      %lt3A_43 = arith.cmpi ult, %sub3A_41, %lt3A_42 : vector<16xi32>
      %swap3A = arith.constant 0 : i32
      %swap3A_44 = arith.index_cast %swap3A : i32 to index
      %swap3A_45 = tpu.vector_load %arg6[%swap3A_44] masked %lt3A_43 {strides = array<i32>} : memref<528xi32, #tpu.memory_space<vmem>>, vector<16xi32>, vector<16xi1>
      tpu.vector_store %arg6[%swap3A_44], %sub3A_41 masked %lt3A_43 {strides = array<i32>} : memref<528xi32, #tpu.memory_space<vmem>>, vector<16xi32>, vector<16xi1>
      %all_reduce_population_count3A = tpu.all_reduce %lt3A_43 {dim = 0 : i64, kind = #tpu.reduction_kind<sum>} : vector<16xi1> -> vector<16xi32>
      %slice3A = vector.extract_strided_slice %all_reduce_population_count3A {offsets = [0], sizes = [1], strides = [1]} : vector<16xi32> to vector<1xi32>
      %squeeze3A = vector.extract %slice3A[0] : i32 from vector<1xi32>
      %add3A_46 = arith.constant 0 : i32
      %add3A_47 = arith.addi %add3A_46, %squeeze3A : i32
      %get3A_48 = arith.constant 16 : index
      %get3A_49 = tpu.vector_load %arg5[%get3A_48] {strides = array<i32>} : memref<400xi32, #tpu.memory_space<vmem>>, vector<16xi32>,
      %sub3A_50 = vector.broadcast %mul3A_2 : i32 to vector<16xi32>
      %sub3A_51 = arith.subi %get3A_49, %sub3A_50 : vector<16xi32>
      %lt3A_52 = vector.broadcast %scan3A_17 : i32 to vector<16xi32>
      %lt3A_53 = arith.cmpi ult, %sub3A_51, %lt3A_52 : vector<16xi32>
      %swap3A_54 = arith.index_cast %add3A_47 : i32 to index
      %swap3A_55 = tpu.vector_load %arg6[%swap3A_54] masked %lt3A_53 {strides = array<i32>} : memref<528xi32, #tpu.memory_space<vmem>>, vector<16xi32>, vector<16xi1>
      tpu.vector_store %arg6[%swap3A_54], %sub3A_51 masked %lt3A_53 {strides = array<i32>} : memref<528xi32, #tpu.memory_space<vmem>>, vector<16xi32>, vector<16xi1>
      %all_reduce_population_count3A_56 = tpu.all_reduce %lt3A_53 {dim = 0 : i64, kind = #tpu.reduction_kind<sum>} : vector<16xi1> -> vector<16xi32>
      %slice3A_57 = vector.extract_strided_slice %all_reduce_population_count3A_56 {offsets = [0], sizes = [1], strides = [1]} : vector<16xi32> to vector<1xi32>
      %squeeze3A_58 = vector.extract %slice3A_57[0] : i32 from vector<1xi32>
      %add3A_59 = arith.addi %add3A_47, %squeeze3A_58 : i32
      %get3A_60 = arith.constant 32 : index
      %get3A_61 = tpu.vector_load %arg5[%get3A_60] {strides = array<i32>} : memref<400xi32, #tpu.memory_space<vmem>>, vector<16xi32>,
      %sub3A_62 = vector.broadcast %mul3A_2 : i32 to vector<16xi32>
      %sub3A_63 = arith.subi %get3A_61, %sub3A_62 : vector<16xi32>
      %lt3A_64 = vector.broadcast %scan3A_17 : i32 to vector<16xi32>
      %lt3A_65 = arith.cmpi ult, %sub3A_63, %lt3A_64 : vector<16xi32>
      %swap3A_66 = arith.index_cast %add3A_59 : i32 to index
      %swap3A_67 = tpu.vector_load %arg6[%swap3A_66] masked %lt3A_65 {strides = array<i32>} : memref<528xi32, #tpu.memory_space<vmem>>, vector<16xi32>, vector<16xi1>
      tpu.vector_store %arg6[%swap3A_66], %sub3A_63 masked %lt3A_65 {strides = array<i32>} : memref<528xi32, #tpu.memory_space<vmem>>, vector<16xi32>, vector<16xi1>
      %all_reduce_population_count3A_68 = tpu.all_reduce %lt3A_65 {dim = 0 : i64, kind = #tpu.reduction_kind<sum>} : vector<16xi1> -> vector<16xi32>
      %slice3A_69 = vector.extract_strided_slice %all_reduce_population_count3A_68 {offsets = [0], sizes = [1], strides = [1]} : vector<16xi32> to vector<1xi32>
      %squeeze3A_70 = vector.extract %slice3A_69[0] : i32 from vector<1xi32>
      %add3A_71 = arith.addi %add3A_59, %squeeze3A_70 : i32
      %get3A_72 = arith.constant 48 : index
      %get3A_73 = tpu.vector_load %arg5[%get3A_72] {strides = array<i32>} : memref<400xi32, #tpu.memory_space<vmem>>, vector<16xi32>,
      %sub3A_74 = vector.broadcast %mul3A_2 : i32 to vector<16xi32>
      %sub3A_75 = arith.subi %get3A_73, %sub3A_74 : vector<16xi32>
      %lt3A_76 = vector.broadcast %scan3A_17 : i32 to vector<16xi32>
      %lt3A_77 = arith.cmpi ult, %sub3A_75, %lt3A_76 : vector<16xi32>
      %swap3A_78 = arith.index_cast %add3A_71 : i32 to index
      %swap3A_79 = tpu.vector_load %arg6[%swap3A_78] masked %lt3A_77 {strides = array<i32>} : memref<528xi32, #tpu.memory_space<vmem>>, vector<16xi32>, vector<16xi1>
      tpu.vector_store %arg6[%swap3A_78], %sub3A_75 masked %lt3A_77 {strides = array<i32>} : memref<528xi32, #tpu.memory_space<vmem>>, vector<16xi32>, vector<16xi1>
      %all_reduce_population_count3A_80 = tpu.all_reduce %lt3A_77 {dim = 0 : i64, kind = #tpu.reduction_kind<sum>} : vector<16xi1> -> vector<16xi32>
      %slice3A_81 = vector.extract_strided_slice %all_reduce_population_count3A_80 {offsets = [0], sizes = [1], strides = [1]} : vector<16xi32> to vector<1xi32>
      %squeeze3A_82 = vector.extract %slice3A_81[0] : i32 from vector<1xi32>
      %add3A_83 = arith.addi %add3A_71, %squeeze3A_82 : i32
      %get3A_84 = arith.constant 64 : index
      %get3A_85 = tpu.vector_load %arg5[%get3A_84] {strides = array<i32>} : memref<400xi32, #tpu.memory_space<vmem>>, vector<16xi32>,
      %sub3A_86 = vector.broadcast %mul3A_2 : i32 to vector<16xi32>
      %sub3A_87 = arith.subi %get3A_85, %sub3A_86 : vector<16xi32>
      %lt3A_88 = vector.broadcast %scan3A_17 : i32 to vector<16xi32>
      %lt3A_89 = arith.cmpi ult, %sub3A_87, %lt3A_88 : vector<16xi32>
      %swap3A_90 = arith.index_cast %add3A_83 : i32 to index
      %swap3A_91 = tpu.vector_load %arg6[%swap3A_90] masked %lt3A_89 {strides = array<i32>} : memref<528xi32, #tpu.memory_space<vmem>>, vector<16xi32>, vector<16xi1>
      tpu.vector_store %arg6[%swap3A_90], %sub3A_87 masked %lt3A_89 {strides = array<i32>} : memref<528xi32, #tpu.memory_space<vmem>>, vector<16xi32>, vector<16xi1>
      %all_reduce_population_count3A_92 = tpu.all_reduce %lt3A_89 {dim = 0 : i64, kind = #tpu.reduction_kind<sum>} : vector<16xi1> -> vector<16xi32>
      %slice3A_93 = vector.extract_strided_slice %all_reduce_population_count3A_92 {offsets = [0], sizes = [1], strides = [1]} : vector<16xi32> to vector<1xi32>
      %squeeze3A_94 = vector.extract %slice3A_93[0] : i32 from vector<1xi32>
      %add3A_95 = arith.addi %add3A_83, %squeeze3A_94 : i32
      %get3A_96 = arith.constant 80 : index
      %get3A_97 = tpu.vector_load %arg5[%get3A_96] {strides = array<i32>} : memref<400xi32, #tpu.memory_space<vmem>>, vector<16xi32>,
      %sub3A_98 = vector.broadcast %mul3A_2 : i32 to vector<16xi32>
      %sub3A_99 = arith.subi %get3A_97, %sub3A_98 : vector<16xi32>
      %lt3A_100 = vector.broadcast %scan3A_17 : i32 to vector<16xi32>
      %lt3A_101 = arith.cmpi ult, %sub3A_99, %lt3A_100 : vector<16xi32>
      %swap3A_102 = arith.index_cast %add3A_95 : i32 to index
      %swap3A_103 = tpu.vector_load %arg6[%swap3A_102] masked %lt3A_101 {strides = array<i32>} : memref<528xi32, #tpu.memory_space<vmem>>, vector<16xi32>, vector<16xi1>
      tpu.vector_store %arg6[%swap3A_102], %sub3A_99 masked %lt3A_101 {strides = array<i32>} : memref<528xi32, #tpu.memory_space<vmem>>, vector<16xi32>, vector<16xi1>
      %all_reduce_population_count3A_104 = tpu.all_reduce %lt3A_101 {dim = 0 : i64, kind = #tpu.reduction_kind<sum>} : vector<16xi1> -> vector<16xi32>
      %slice3A_105 = vector.extract_strided_slice %all_reduce_population_count3A_104 {offsets = [0], sizes = [1], strides = [1]} : vector<16xi32> to vector<1xi32>
      %squeeze3A_106 = vector.extract %slice3A_105[0] : i32 from vector<1xi32>
      %add3A_107 = arith.addi %add3A_95, %squeeze3A_106 : i32
      %get3A_108 = arith.constant 96 : index
      %get3A_109 = tpu.vector_load %arg5[%get3A_108] {strides = array<i32>} : memref<400xi32, #tpu.memory_space<vmem>>, vector<16xi32>,
      %sub3A_110 = vector.broadcast %mul3A_2 : i32 to vector<16xi32>
      %sub3A_111 = arith.subi %get3A_109, %sub3A_110 : vector<16xi32>
      %lt3A_112 = vector.broadcast %scan3A_17 : i32 to vector<16xi32>
      %lt3A_113 = arith.cmpi ult, %sub3A_111, %lt3A_112 : vector<16xi32>
      %swap3A_114 = arith.index_cast %add3A_107 : i32 to index
      %swap3A_115 = tpu.vector_load %arg6[%swap3A_114] masked %lt3A_113 {strides = array<i32>} : memref<528xi32, #tpu.memory_space<vmem>>, vector<16xi32>, vector<16xi1>
      tpu.vector_store %arg6[%swap3A_114], %sub3A_111 masked %lt3A_113 {strides = array<i32>} : memref<528xi32, #tpu.memory_space<vmem>>, vector<16xi32>, vector<16xi1>
      %all_reduce_population_count3A_116 = tpu.all_reduce %lt3A_113 {dim = 0 : i64, kind = #tpu.reduction_kind<sum>} : vector<16xi1> -> vector<16xi32>
      %slice3A_117 = vector.extract_strided_slice %all_reduce_population_count3A_116 {offsets = [0], sizes = [1], strides = [1]} : vector<16xi32> to vector<1xi32>
      %squeeze3A_118 = vector.extract %slice3A_117[0] : i32 from vector<1xi32>
      %add3A_119 = arith.addi %add3A_107, %squeeze3A_118 : i32
      %get3A_120 = arith.constant 112 : index
      %get3A_121 = tpu.vector_load %arg5[%get3A_120] {strides = array<i32>} : memref<400xi32, #tpu.memory_space<vmem>>, vector<16xi32>,
      %sub3A_122 = vector.broadcast %mul3A_2 : i32 to vector<16xi32>
      %sub3A_123 = arith.subi %get3A_121, %sub3A_122 : vector<16xi32>
      %lt3A_124 = vector.broadcast %scan3A_17 : i32 to vector<16xi32>
      %lt3A_125 = arith.cmpi ult, %sub3A_123, %lt3A_124 : vector<16xi32>
      %swap3A_126 = arith.index_cast %add3A_119 : i32 to index
      %swap3A_127 = tpu.vector_load %arg6[%swap3A_126] masked %lt3A_125 {strides = array<i32>} : memref<528xi32, #tpu.memory_space<vmem>>, vector<16xi32>, vector<16xi1>
      tpu.vector_store %arg6[%swap3A_126], %sub3A_123 masked %lt3A_125 {strides = array<i32>} : memref<528xi32, #tpu.memory_space<vmem>>, vector<16xi32>, vector<16xi1>
      %all_reduce_population_count3A_128 = tpu.all_reduce %lt3A_125 {dim = 0 : i64, kind = #tpu.reduction_kind<sum>} : vector<16xi1> -> vector<16xi32>
      %slice3A_129 = vector.extract_strided_slice %all_reduce_population_count3A_128 {offsets = [0], sizes = [1], strides = [1]} : vector<16xi32> to vector<1xi32>
      %squeeze3A_130 = vector.extract %slice3A_129[0] : i32 from vector<1xi32>
      %add3A_131 = arith.addi %add3A_119, %squeeze3A_130 : i32
      %get3A_132 = arith.constant 128 : index
      %get3A_133 = tpu.vector_load %arg5[%get3A_132] {strides = array<i32>} : memref<400xi32, #tpu.memory_space<vmem>>, vector<16xi32>,
      %sub3A_134 = vector.broadcast %mul3A_2 : i32 to vector<16xi32>
      %sub3A_135 = arith.subi %get3A_133, %sub3A_134 : vector<16xi32>
      %lt3A_136 = vector.broadcast %scan3A_17 : i32 to vector<16xi32>
      %lt3A_137 = arith.cmpi ult, %sub3A_135, %lt3A_136 : vector<16xi32>
      %swap3A_138 = arith.index_cast %add3A_131 : i32 to index
      %swap3A_139 = tpu.vector_load %arg6[%swap3A_138] masked %lt3A_137 {strides = array<i32>} : memref<528xi32, #tpu.memory_space<vmem>>, vector<16xi32>, vector<16xi1>
      tpu.vector_store %arg6[%swap3A_138], %sub3A_135 masked %lt3A_137 {strides = array<i32>} : memref<528xi32, #tpu.memory_space<vmem>>, vector<16xi32>, vector<16xi1>
      %all_reduce_population_count3A_140 = tpu.all_reduce %lt3A_137 {dim = 0 : i64, kind = #tpu.reduction_kind<sum>} : vector<16xi1> -> vector<16xi32>
      %slice3A_141 = vector.extract_strided_slice %all_reduce_population_count3A_140 {offsets = [0], sizes = [1], strides = [1]} : vector<16xi32> to vector<1xi32>
      %squeeze3A_142 = vector.extract %slice3A_141[0] : i32 from vector<1xi32>
      %add3A_143 = arith.addi %add3A_131, %squeeze3A_142 : i32
      %get3A_144 = arith.constant 144 : index
      %get3A_145 = tpu.vector_load %arg5[%get3A_144] {strides = array<i32>} : memref<400xi32, #tpu.memory_space<vmem>>, vector<16xi32>,
      %sub3A_146 = vector.broadcast %mul3A_2 : i32 to vector<16xi32>
      %sub3A_147 = arith.subi %get3A_145, %sub3A_146 : vector<16xi32>
      %lt3A_148 = vector.broadcast %scan3A_17 : i32 to vector<16xi32>
      %lt3A_149 = arith.cmpi ult, %sub3A_147, %lt3A_148 : vector<16xi32>
      %swap3A_150 = arith.index_cast %add3A_143 : i32 to index
      %swap3A_151 = tpu.vector_load %arg6[%swap3A_150] masked %lt3A_149 {strides = array<i32>} : memref<528xi32, #tpu.memory_space<vmem>>, vector<16xi32>, vector<16xi1>
      tpu.vector_store %arg6[%swap3A_150], %sub3A_147 masked %lt3A_149 {strides = array<i32>} : memref<528xi32, #tpu.memory_space<vmem>>, vector<16xi32>, vector<16xi1>
      %all_reduce_population_count3A_152 = tpu.all_reduce %lt3A_149 {dim = 0 : i64, kind = #tpu.reduction_kind<sum>} : vector<16xi1> -> vector<16xi32>
      %slice3A_153 = vector.extract_strided_slice %all_reduce_population_count3A_152 {offsets = [0], sizes = [1], strides = [1]} : vector<16xi32> to vector<1xi32>
      %squeeze3A_154 = vector.extract %slice3A_153[0] : i32 from vector<1xi32>
      %add3A_155 = arith.addi %add3A_143, %squeeze3A_154 : i32
      %get3A_156 = arith.constant 160 : index
      %get3A_157 = tpu.vector_load %arg5[%get3A_156] {strides = array<i32>} : memref<400xi32, #tpu.memory_space<vmem>>, vector<16xi32>,
      %sub3A_158 = vector.broadcast %mul3A_2 : i32 to vector<16xi32>
      %sub3A_159 = arith.subi %get3A_157, %sub3A_158 : vector<16xi32>
      %lt3A_160 = vector.broadcast %scan3A_17 : i32 to vector<16xi32>
      %lt3A_161 = arith.cmpi ult, %sub3A_159, %lt3A_160 : vector<16xi32>
      %swap3A_162 = arith.index_cast %add3A_155 : i32 to index
      %swap3A_163 = tpu.vector_load %arg6[%swap3A_162] masked %lt3A_161 {strides = array<i32>} : memref<528xi32, #tpu.memory_space<vmem>>, vector<16xi32>, vector<16xi1>
      tpu.vector_store %arg6[%swap3A_162], %sub3A_159 masked %lt3A_161 {strides = array<i32>} : memref<528xi32, #tpu.memory_space<vmem>>, vector<16xi32>, vector<16xi1>
      %all_reduce_population_count3A_164 = tpu.all_reduce %lt3A_161 {dim = 0 : i64, kind = #tpu.reduction_kind<sum>} : vector<16xi1> -> vector<16xi32>
      %slice3A_165 = vector.extract_strided_slice %all_reduce_population_count3A_164 {offsets = [0], sizes = [1], strides = [1]} : vector<16xi32> to vector<1xi32>
      %squeeze3A_166 = vector.extract %slice3A_165[0] : i32 from vector<1xi32>
      %add3A_167 = arith.addi %add3A_155, %squeeze3A_166 : i32
      %get3A_168 = arith.constant 176 : index
      %get3A_169 = tpu.vector_load %arg5[%get3A_168] {strides = array<i32>} : memref<400xi32, #tpu.memory_space<vmem>>, vector<16xi32>,
      %sub3A_170 = vector.broadcast %mul3A_2 : i32 to vector<16xi32>
      %sub3A_171 = arith.subi %get3A_169, %sub3A_170 : vector<16xi32>
      %lt3A_172 = vector.broadcast %scan3A_17 : i32 to vector<16xi32>
      %lt3A_173 = arith.cmpi ult, %sub3A_171, %lt3A_172 : vector<16xi32>
      %swap3A_174 = arith.index_cast %add3A_167 : i32 to index
      %swap3A_175 = tpu.vector_load %arg6[%swap3A_174] masked %lt3A_173 {strides = array<i32>} : memref<528xi32, #tpu.memory_space<vmem>>, vector<16xi32>, vector<16xi1>
      tpu.vector_store %arg6[%swap3A_174], %sub3A_171 masked %lt3A_173 {strides = array<i32>} : memref<528xi32, #tpu.memory_space<vmem>>, vector<16xi32>, vector<16xi1>
      %all_reduce_population_count3A_176 = tpu.all_reduce %lt3A_173 {dim = 0 : i64, kind = #tpu.reduction_kind<sum>} : vector<16xi1> -> vector<16xi32>
      %slice3A_177 = vector.extract_strided_slice %all_reduce_population_count3A_176 {offsets = [0], sizes = [1], strides = [1]} : vector<16xi32> to vector<1xi32>
      %squeeze3A_178 = vector.extract %slice3A_177[0] : i32 from vector<1xi32>
      %add3A_179 = arith.addi %add3A_167, %squeeze3A_178 : i32
      %get3A_180 = arith.constant 192 : index
      %get3A_181 = tpu.vector_load %arg5[%get3A_180] {strides = array<i32>} : memref<400xi32, #tpu.memory_space<vmem>>, vector<16xi32>,
      %sub3A_182 = vector.broadcast %mul3A_2 : i32 to vector<16xi32>
      %sub3A_183 = arith.subi %get3A_181, %sub3A_182 : vector<16xi32>
      %lt3A_184 = vector.broadcast %scan3A_17 : i32 to vector<16xi32>
      %lt3A_185 = arith.cmpi ult, %sub3A_183, %lt3A_184 : vector<16xi32>
      %and3A = arith.andi %lt3A_185, %lt3A_9 : vector<16xi1>
      %swap3A_186 = arith.index_cast %add3A_179 : i32 to index
      %swap3A_187 = tpu.vector_load %arg6[%swap3A_186] masked %and3A {strides = array<i32>} : memref<528xi32, #tpu.memory_space<vmem>>, vector<16xi32>, vector<16xi1>
      tpu.vector_store %arg6[%swap3A_186], %sub3A_183 masked %and3A {strides = array<i32>} : memref<528xi32, #tpu.memory_space<vmem>>, vector<16xi32>, vector<16xi1>
      %all_reduce_population_count3A_188 = tpu.all_reduce %and3A {dim = 0 : i64, kind = #tpu.reduction_kind<sum>} : vector<16xi1> -> vector<16xi32>
      %slice3A_189 = vector.extract_strided_slice %all_reduce_population_count3A_188 {offsets = [0], sizes = [1], strides = [1]} : vector<16xi32> to vector<1xi32>
      %squeeze3A_190 = vector.extract %slice3A_189[0] : i32 from vector<1xi32>
      %add3A_191 = arith.addi %add3A_179, %squeeze3A_190 : i32
      %not3A = arith.constant dense<true> : vector<16xi1>
      %not3A_192 = arith.xori %lt3A_9, %not3A : vector<16xi1>
      %and3A_193 = arith.andi %lt3A_185, %not3A_192 : vector<16xi1>
      %swap3A_194 = arith.index_cast %add3A_191 : i32 to index
      %swap3A_195 = tpu.vector_load %arg6[%swap3A_194] masked %and3A_193 {strides = array<i32>} : memref<528xi32, #tpu.memory_space<vmem>>, vector<16xi32>, vector<16xi1>
      tpu.vector_store %arg6[%swap3A_194], %sub3A_183 masked %and3A_193 {strides = array<i32>} : memref<528xi32, #tpu.memory_space<vmem>>, vector<16xi32>, vector<16xi1>
      %all_reduce_population_count3A_196 = tpu.all_reduce %and3A_193 {dim = 0 : i64, kind = #tpu.reduction_kind<sum>} : vector<16xi1> -> vector<16xi32>
      %slice3A_197 = vector.extract_strided_slice %all_reduce_population_count3A_196 {offsets = [0], sizes = [1], strides = [1]} : vector<16xi32> to vector<1xi32>
      %squeeze3A_198 = vector.extract %slice3A_197[0] : i32 from vector<1xi32>
      %add3A_199 = arith.addi %add3A_191, %squeeze3A_198 : i32
      %get3A_200 = arith.constant 208 : index
      %get3A_201 = tpu.vector_load %arg5[%get3A_200] {strides = array<i32>} : memref<400xi32, #tpu.memory_space<vmem>>, vector<16xi32>,
      %sub3A_202 = vector.broadcast %mul3A_2 : i32 to vector<16xi32>
      %sub3A_203 = arith.subi %get3A_201, %sub3A_202 : vector<16xi32>
      %lt3A_204 = vector.broadcast %scan3A_17 : i32 to vector<16xi32>
      %lt3A_205 = arith.cmpi ult, %sub3A_203, %lt3A_204 : vector<16xi32>
      %swap3A_206 = arith.index_cast %add3A_199 : i32 to index
      %swap3A_207 = tpu.vector_load %arg6[%swap3A_206] masked %lt3A_205 {strides = array<i32>} : memref<528xi32, #tpu.memory_space<vmem>>, vector<16xi32>, vector<16xi1>
      tpu.vector_store %arg6[%swap3A_206], %sub3A_203 masked %lt3A_205 {strides = array<i32>} : memref<528xi32, #tpu.memory_space<vmem>>, vector<16xi32>, vector<16xi1>
      %all_reduce_population_count3A_208 = tpu.all_reduce %lt3A_205 {dim = 0 : i64, kind = #tpu.reduction_kind<sum>} : vector<16xi1> -> vector<16xi32>
      %slice3A_209 = vector.extract_strided_slice %all_reduce_population_count3A_208 {offsets = [0], sizes = [1], strides = [1]} : vector<16xi32> to vector<1xi32>
      %squeeze3A_210 = vector.extract %slice3A_209[0] : i32 from vector<1xi32>
      %add3A_211 = arith.addi %add3A_199, %squeeze3A_210 : i32
      %get3A_212 = arith.constant 224 : index
      %get3A_213 = tpu.vector_load %arg5[%get3A_212] {strides = array<i32>} : memref<400xi32, #tpu.memory_space<vmem>>, vector<16xi32>,
      %sub3A_214 = vector.broadcast %mul3A_2 : i32 to vector<16xi32>
      %sub3A_215 = arith.subi %get3A_213, %sub3A_214 : vector<16xi32>
      %lt3A_216 = vector.broadcast %scan3A_17 : i32 to vector<16xi32>
      %lt3A_217 = arith.cmpi ult, %sub3A_215, %lt3A_216 : vector<16xi32>
      %swap3A_218 = arith.index_cast %add3A_211 : i32 to index
      %swap3A_219 = tpu.vector_load %arg6[%swap3A_218] masked %lt3A_217 {strides = array<i32>} : memref<528xi32, #tpu.memory_space<vmem>>, vector<16xi32>, vector<16xi1>
      tpu.vector_store %arg6[%swap3A_218], %sub3A_215 masked %lt3A_217 {strides = array<i32>} : memref<528xi32, #tpu.memory_space<vmem>>, vector<16xi32>, vector<16xi1>
      %all_reduce_population_count3A_220 = tpu.all_reduce %lt3A_217 {dim = 0 : i64, kind = #tpu.reduction_kind<sum>} : vector<16xi1> -> vector<16xi32>
      %slice3A_221 = vector.extract_strided_slice %all_reduce_population_count3A_220 {offsets = [0], sizes = [1], strides = [1]} : vector<16xi32> to vector<1xi32>
      %squeeze3A_222 = vector.extract %slice3A_221[0] : i32 from vector<1xi32>
      %add3A_223 = arith.addi %add3A_211, %squeeze3A_222 : i32
      %get3A_224 = arith.constant 240 : index
      %get3A_225 = tpu.vector_load %arg5[%get3A_224] {strides = array<i32>} : memref<400xi32, #tpu.memory_space<vmem>>, vector<16xi32>,
      %sub3A_226 = vector.broadcast %mul3A_2 : i32 to vector<16xi32>
      %sub3A_227 = arith.subi %get3A_225, %sub3A_226 : vector<16xi32>
      %lt3A_228 = vector.broadcast %scan3A_17 : i32 to vector<16xi32>
      %lt3A_229 = arith.cmpi ult, %sub3A_227, %lt3A_228 : vector<16xi32>
      %swap3A_230 = arith.index_cast %add3A_223 : i32 to index
      %swap3A_231 = tpu.vector_load %arg6[%swap3A_230] masked %lt3A_229 {strides = array<i32>} : memref<528xi32, #tpu.memory_space<vmem>>, vector<16xi32>, vector<16xi1>
      tpu.vector_store %arg6[%swap3A_230], %sub3A_227 masked %lt3A_229 {strides = array<i32>} : memref<528xi32, #tpu.memory_space<vmem>>, vector<16xi32>, vector<16xi1>
      %all_reduce_population_count3A_232 = tpu.all_reduce %lt3A_229 {dim = 0 : i64, kind = #tpu.reduction_kind<sum>} : vector<16xi1> -> vector<16xi32>
      %slice3A_233 = vector.extract_strided_slice %all_reduce_population_count3A_232 {offsets = [0], sizes = [1], strides = [1]} : vector<16xi32> to vector<1xi32>
      %squeeze3A_234 = vector.extract %slice3A_233[0] : i32 from vector<1xi32>
      %add3A_235 = arith.addi %add3A_223, %squeeze3A_234 : i32
      %get3A_236 = arith.constant 256 : index
      %get3A_237 = tpu.vector_load %arg5[%get3A_236] {strides = array<i32>} : memref<400xi32, #tpu.memory_space<vmem>>, vector<16xi32>,
      %sub3A_238 = vector.broadcast %mul3A_2 : i32 to vector<16xi32>
      %sub3A_239 = arith.subi %get3A_237, %sub3A_238 : vector<16xi32>
      %lt3A_240 = vector.broadcast %scan3A_17 : i32 to vector<16xi32>
      %lt3A_241 = arith.cmpi ult, %sub3A_239, %lt3A_240 : vector<16xi32>
      %swap3A_242 = arith.index_cast %add3A_235 : i32 to index
      %swap3A_243 = tpu.vector_load %arg6[%swap3A_242] masked %lt3A_241 {strides = array<i32>} : memref<528xi32, #tpu.memory_space<vmem>>, vector<16xi32>, vector<16xi1>
      tpu.vector_store %arg6[%swap3A_242], %sub3A_239 masked %lt3A_241 {strides = array<i32>} : memref<528xi32, #tpu.memory_space<vmem>>, vector<16xi32>, vector<16xi1>
      %all_reduce_population_count3A_244 = tpu.all_reduce %lt3A_241 {dim = 0 : i64, kind = #tpu.reduction_kind<sum>} : vector<16xi1> -> vector<16xi32>
      %slice3A_245 = vector.extract_strided_slice %all_reduce_population_count3A_244 {offsets = [0], sizes = [1], strides = [1]} : vector<16xi32> to vector<1xi32>
      %squeeze3A_246 = vector.extract %slice3A_245[0] : i32 from vector<1xi32>
      %add3A_247 = arith.addi %add3A_235, %squeeze3A_246 : i32
      %get3A_248 = arith.constant 272 : index
      %get3A_249 = tpu.vector_load %arg5[%get3A_248] {strides = array<i32>} : memref<400xi32, #tpu.memory_space<vmem>>, vector<16xi32>,
      %sub3A_250 = vector.broadcast %mul3A_2 : i32 to vector<16xi32>
      %sub3A_251 = arith.subi %get3A_249, %sub3A_250 : vector<16xi32>
      %lt3A_252 = vector.broadcast %scan3A_17 : i32 to vector<16xi32>
      %lt3A_253 = arith.cmpi ult, %sub3A_251, %lt3A_252 : vector<16xi32>
      %swap3A_254 = arith.index_cast %add3A_247 : i32 to index
      %swap3A_255 = tpu.vector_load %arg6[%swap3A_254] masked %lt3A_253 {strides = array<i32>} : memref<528xi32, #tpu.memory_space<vmem>>, vector<16xi32>, vector<16xi1>
      tpu.vector_store %arg6[%swap3A_254], %sub3A_251 masked %lt3A_253 {strides = array<i32>} : memref<528xi32, #tpu.memory_space<vmem>>, vector<16xi32>, vector<16xi1>
      %all_reduce_population_count3A_256 = tpu.all_reduce %lt3A_253 {dim = 0 : i64, kind = #tpu.reduction_kind<sum>} : vector<16xi1> -> vector<16xi32>
      %slice3A_257 = vector.extract_strided_slice %all_reduce_population_count3A_256 {offsets = [0], sizes = [1], strides = [1]} : vector<16xi32> to vector<1xi32>
      %squeeze3A_258 = vector.extract %slice3A_257[0] : i32 from vector<1xi32>
      %add3A_259 = arith.addi %add3A_247, %squeeze3A_258 : i32
      %get3A_260 = arith.constant 288 : index
      %get3A_261 = tpu.vector_load %arg5[%get3A_260] {strides = array<i32>} : memref<400xi32, #tpu.memory_space<vmem>>, vector<16xi32>,
      %sub3A_262 = vector.broadcast %mul3A_2 : i32 to vector<16xi32>
      %sub3A_263 = arith.subi %get3A_261, %sub3A_262 : vector<16xi32>
      %lt3A_264 = vector.broadcast %scan3A_17 : i32 to vector<16xi32>
      %lt3A_265 = arith.cmpi ult, %sub3A_263, %lt3A_264 : vector<16xi32>
      %swap3A_266 = arith.index_cast %add3A_259 : i32 to index
      %swap3A_267 = tpu.vector_load %arg6[%swap3A_266] masked %lt3A_265 {strides = array<i32>} : memref<528xi32, #tpu.memory_space<vmem>>, vector<16xi32>, vector<16xi1>
      tpu.vector_store %arg6[%swap3A_266], %sub3A_263 masked %lt3A_265 {strides = array<i32>} : memref<528xi32, #tpu.memory_space<vmem>>, vector<16xi32>, vector<16xi1>
      %all_reduce_population_count3A_268 = tpu.all_reduce %lt3A_265 {dim = 0 : i64, kind = #tpu.reduction_kind<sum>} : vector<16xi1> -> vector<16xi32>
      %slice3A_269 = vector.extract_strided_slice %all_reduce_population_count3A_268 {offsets = [0], sizes = [1], strides = [1]} : vector<16xi32> to vector<1xi32>
      %squeeze3A_270 = vector.extract %slice3A_269[0] : i32 from vector<1xi32>
      %add3A_271 = arith.addi %add3A_259, %squeeze3A_270 : i32
      %get3A_272 = arith.constant 304 : index
      %get3A_273 = tpu.vector_load %arg5[%get3A_272] {strides = array<i32>} : memref<400xi32, #tpu.memory_space<vmem>>, vector<16xi32>,
      %sub3A_274 = vector.broadcast %mul3A_2 : i32 to vector<16xi32>
      %sub3A_275 = arith.subi %get3A_273, %sub3A_274 : vector<16xi32>
      %lt3A_276 = vector.broadcast %scan3A_17 : i32 to vector<16xi32>
      %lt3A_277 = arith.cmpi ult, %sub3A_275, %lt3A_276 : vector<16xi32>
      %swap3A_278 = arith.index_cast %add3A_271 : i32 to index
      %swap3A_279 = tpu.vector_load %arg6[%swap3A_278] masked %lt3A_277 {strides = array<i32>} : memref<528xi32, #tpu.memory_space<vmem>>, vector<16xi32>, vector<16xi1>
      tpu.vector_store %arg6[%swap3A_278], %sub3A_275 masked %lt3A_277 {strides = array<i32>} : memref<528xi32, #tpu.memory_space<vmem>>, vector<16xi32>, vector<16xi1>
      %all_reduce_population_count3A_280 = tpu.all_reduce %lt3A_277 {dim = 0 : i64, kind = #tpu.reduction_kind<sum>} : vector<16xi1> -> vector<16xi32>
      %slice3A_281 = vector.extract_strided_slice %all_reduce_population_count3A_280 {offsets = [0], sizes = [1], strides = [1]} : vector<16xi32> to vector<1xi32>
      %squeeze3A_282 = vector.extract %slice3A_281[0] : i32 from vector<1xi32>
      %add3A_283 = arith.addi %add3A_271, %squeeze3A_282 : i32
      %get3A_284 = arith.constant 320 : index
      %get3A_285 = tpu.vector_load %arg5[%get3A_284] {strides = array<i32>} : memref<400xi32, #tpu.memory_space<vmem>>, vector<16xi32>,
      %sub3A_286 = vector.broadcast %mul3A_2 : i32 to vector<16xi32>
      %sub3A_287 = arith.subi %get3A_285, %sub3A_286 : vector<16xi32>
      %lt3A_288 = vector.broadcast %scan3A_17 : i32 to vector<16xi32>
      %lt3A_289 = arith.cmpi ult, %sub3A_287, %lt3A_288 : vector<16xi32>
      %swap3A_290 = arith.index_cast %add3A_283 : i32 to index
      %swap3A_291 = tpu.vector_load %arg6[%swap3A_290] masked %lt3A_289 {strides = array<i32>} : memref<528xi32, #tpu.memory_space<vmem>>, vector<16xi32>, vector<16xi1>
      tpu.vector_store %arg6[%swap3A_290], %sub3A_287 masked %lt3A_289 {strides = array<i32>} : memref<528xi32, #tpu.memory_space<vmem>>, vector<16xi32>, vector<16xi1>
      %all_reduce_population_count3A_292 = tpu.all_reduce %lt3A_289 {dim = 0 : i64, kind = #tpu.reduction_kind<sum>} : vector<16xi1> -> vector<16xi32>
      %slice3A_293 = vector.extract_strided_slice %all_reduce_population_count3A_292 {offsets = [0], sizes = [1], strides = [1]} : vector<16xi32> to vector<1xi32>
      %squeeze3A_294 = vector.extract %slice3A_293[0] : i32 from vector<1xi32>
      %add3A_295 = arith.addi %add3A_283, %squeeze3A_294 : i32
      %get3A_296 = arith.constant 336 : index
      %get3A_297 = tpu.vector_load %arg5[%get3A_296] {strides = array<i32>} : memref<400xi32, #tpu.memory_space<vmem>>, vector<16xi32>,
      %sub3A_298 = vector.broadcast %mul3A_2 : i32 to vector<16xi32>
      %sub3A_299 = arith.subi %get3A_297, %sub3A_298 : vector<16xi32>
      %lt3A_300 = vector.broadcast %scan3A_17 : i32 to vector<16xi32>
      %lt3A_301 = arith.cmpi ult, %sub3A_299, %lt3A_300 : vector<16xi32>
      %swap3A_302 = arith.index_cast %add3A_295 : i32 to index
      %swap3A_303 = tpu.vector_load %arg6[%swap3A_302] masked %lt3A_301 {strides = array<i32>} : memref<528xi32, #tpu.memory_space<vmem>>, vector<16xi32>, vector<16xi1>
      tpu.vector_store %arg6[%swap3A_302], %sub3A_299 masked %lt3A_301 {strides = array<i32>} : memref<528xi32, #tpu.memory_space<vmem>>, vector<16xi32>, vector<16xi1>
      %all_reduce_population_count3A_304 = tpu.all_reduce %lt3A_301 {dim = 0 : i64, kind = #tpu.reduction_kind<sum>} : vector<16xi1> -> vector<16xi32>
      %slice3A_305 = vector.extract_strided_slice %all_reduce_population_count3A_304 {offsets = [0], sizes = [1], strides = [1]} : vector<16xi32> to vector<1xi32>
      %squeeze3A_306 = vector.extract %slice3A_305[0] : i32 from vector<1xi32>
      %add3A_307 = arith.addi %add3A_295, %squeeze3A_306 : i32
      %get3A_308 = arith.constant 352 : index
      %get3A_309 = tpu.vector_load %arg5[%get3A_308] {strides = array<i32>} : memref<400xi32, #tpu.memory_space<vmem>>, vector<16xi32>,
      %sub3A_310 = vector.broadcast %mul3A_2 : i32 to vector<16xi32>
      %sub3A_311 = arith.subi %get3A_309, %sub3A_310 : vector<16xi32>
      %lt3A_312 = vector.broadcast %scan3A_17 : i32 to vector<16xi32>
      %lt3A_313 = arith.cmpi ult, %sub3A_311, %lt3A_312 : vector<16xi32>
      %swap3A_314 = arith.index_cast %add3A_307 : i32 to index
      %swap3A_315 = tpu.vector_load %arg6[%swap3A_314] masked %lt3A_313 {strides = array<i32>} : memref<528xi32, #tpu.memory_space<vmem>>, vector<16xi32>, vector<16xi1>
      tpu.vector_store %arg6[%swap3A_314], %sub3A_311 masked %lt3A_313 {strides = array<i32>} : memref<528xi32, #tpu.memory_space<vmem>>, vector<16xi32>, vector<16xi1>
      %all_reduce_population_count3A_316 = tpu.all_reduce %lt3A_313 {dim = 0 : i64, kind = #tpu.reduction_kind<sum>} : vector<16xi1> -> vector<16xi32>
      %slice3A_317 = vector.extract_strided_slice %all_reduce_population_count3A_316 {offsets = [0], sizes = [1], strides = [1]} : vector<16xi32> to vector<1xi32>
      %squeeze3A_318 = vector.extract %slice3A_317[0] : i32 from vector<1xi32>
      %add3A_319 = arith.addi %add3A_307, %squeeze3A_318 : i32
      %get3A_320 = arith.constant 368 : index
      %get3A_321 = tpu.vector_load %arg5[%get3A_320] {strides = array<i32>} : memref<400xi32, #tpu.memory_space<vmem>>, vector<16xi32>,
      %sub3A_322 = vector.broadcast %mul3A_2 : i32 to vector<16xi32>
      %sub3A_323 = arith.subi %get3A_321, %sub3A_322 : vector<16xi32>
      %lt3A_324 = vector.broadcast %scan3A_17 : i32 to vector<16xi32>
      %lt3A_325 = arith.cmpi ult, %sub3A_323, %lt3A_324 : vector<16xi32>
      %swap3A_326 = arith.index_cast %add3A_319 : i32 to index
      %swap3A_327 = tpu.vector_load %arg6[%swap3A_326] masked %lt3A_325 {strides = array<i32>} : memref<528xi32, #tpu.memory_space<vmem>>, vector<16xi32>, vector<16xi1>
      tpu.vector_store %arg6[%swap3A_326], %sub3A_323 masked %lt3A_325 {strides = array<i32>} : memref<528xi32, #tpu.memory_space<vmem>>, vector<16xi32>, vector<16xi1>
      %all_reduce_population_count3A_328 = tpu.all_reduce %lt3A_325 {dim = 0 : i64, kind = #tpu.reduction_kind<sum>} : vector<16xi1> -> vector<16xi32>
      %slice3A_329 = vector.extract_strided_slice %all_reduce_population_count3A_328 {offsets = [0], sizes = [1], strides = [1]} : vector<16xi32> to vector<1xi32>
      %squeeze3A_330 = vector.extract %slice3A_329[0] : i32 from vector<1xi32>
      %add3A_331 = arith.addi %add3A_319, %squeeze3A_330 : i32
      %get3A_332 = arith.constant 384 : index
      %get3A_333 = tpu.vector_load %arg5[%get3A_332] {strides = array<i32>} : memref<400xi32, #tpu.memory_space<vmem>>, vector<16xi32>,
      %sub3A_334 = vector.broadcast %mul3A_2 : i32 to vector<16xi32>
      %sub3A_335 = arith.subi %get3A_333, %sub3A_334 : vector<16xi32>
      %lt3A_336 = vector.broadcast %scan3A_17 : i32 to vector<16xi32>
      %lt3A_337 = arith.cmpi ult, %sub3A_335, %lt3A_336 : vector<16xi32>
      %swap3A_338 = arith.index_cast %add3A_331 : i32 to index
      %swap3A_339 = tpu.vector_load %arg6[%swap3A_338] masked %lt3A_337 {strides = array<i32>} : memref<528xi32, #tpu.memory_space<vmem>>, vector<16xi32>, vector<16xi1>
      tpu.vector_store %arg6[%swap3A_338], %sub3A_335 masked %lt3A_337 {strides = array<i32>} : memref<528xi32, #tpu.memory_space<vmem>>, vector<16xi32>, vector<16xi1>
      %all_reduce_population_count3A_340 = tpu.all_reduce %lt3A_337 {dim = 0 : i64, kind = #tpu.reduction_kind<sum>} : vector<16xi1> -> vector<16xi32>
      %slice3A_341 = vector.extract_strided_slice %all_reduce_population_count3A_340 {offsets = [0], sizes = [1], strides = [1]} : vector<16xi32> to vector<1xi32>
      %squeeze3A_342 = vector.extract %slice3A_341[0] : i32 from vector<1xi32>
      %add3A_343 = arith.addi %add3A_331, %squeeze3A_342 : i32
      %lt3A_344 = arith.constant 127 : i32
      %lt3A_345 = arith.cmpi slt, %scan3A_29, %lt3A_344 : i32
      %convert_element_type3A_346 = arith.extui %lt3A_345 : i1 to i32
      %cond3A_347 = arith.constant 0 : i32
      %cond3A_348 = arith.cmpi ne, %convert_element_type3A_346, %cond3A_347 : i32
      scf.if %cond3A_348 {
        %add3A_596 = arith.constant 400 : i32
        %add3A_597 = arith.addi %mul3A_33, %add3A_596 : i32
        %dma_start3A_598 = arith.constant 0 : i32
        %dma_start3A_599 = tpu.memref_slice %arg5[%dma_start3A_598] : memref<400xi32, #tpu.memory_space<vmem>> -> memref<400xi32, #tpu.memory_space<vmem>>
        %dma_start3A_600 = tpu.memref_slice %arg2[%add3A_597] : memref<819200xi32, #tpu.memory_space<hbm>> -> memref<400xi32, #tpu.memory_space<hbm>>
        %dma_start3A_601 = arith.constant 0 : i32
        %dma_start3A_602 = tpu.memref_slice %arg5[%dma_start3A_601] : memref<400xi32, #tpu.memory_space<vmem>> -> memref<400xi32, #tpu.memory_space<vmem>>
        %dma_start3A_603 = tpu.memref_slice %arg2[%add3A_597] : memref<819200xi32, #tpu.memory_space<hbm>> -> memref<400xi32, #tpu.memory_space<hbm>>
        tpu.enqueue_dma source(%dma_start3A_603 : memref<400xi32, #tpu.memory_space<hbm>>) target(%dma_start3A_602 : memref<400xi32, #tpu.memory_space<vmem>>) target_semaphore(%arg10 : memref<!tpu.dma_semaphore, #tpu.memory_space<semaphore_mem>>)
      } else {
      }
      %add3A_349 = arith.constant 0 : i32
      %add3A_350 = arith.addi %add3A_343, %add3A_349 : i32
      %swap3A_351 = arith.index_cast %add3A_350 : i32 to index
      %swap3A_352 = tpu.vector_load %arg6[%swap3A_351] {strides = array<i32>} : memref<528xi32, #tpu.memory_space<vmem>>, vector<16xi32>,
      tpu.vector_store %arg6[%swap3A_351], %broadcast_in_dim3A_5 {strides = array<i32>} : memref<528xi32, #tpu.memory_space<vmem>>, vector<16xi32>,
      %add3A_353 = arith.constant 16 : i32
      %add3A_354 = arith.addi %add3A_343, %add3A_353 : i32
      %swap3A_355 = arith.index_cast %add3A_354 : i32 to index
      %swap3A_356 = tpu.vector_load %arg6[%swap3A_355] {strides = array<i32>} : memref<528xi32, #tpu.memory_space<vmem>>, vector<16xi32>,
      tpu.vector_store %arg6[%swap3A_355], %broadcast_in_dim3A_5 {strides = array<i32>} : memref<528xi32, #tpu.memory_space<vmem>>, vector<16xi32>,
      %add3A_357 = arith.constant 32 : i32
      %add3A_358 = arith.addi %add3A_343, %add3A_357 : i32
      %swap3A_359 = arith.index_cast %add3A_358 : i32 to index
      %swap3A_360 = tpu.vector_load %arg6[%swap3A_359] {strides = array<i32>} : memref<528xi32, #tpu.memory_space<vmem>>, vector<16xi32>,
      tpu.vector_store %arg6[%swap3A_359], %broadcast_in_dim3A_5 {strides = array<i32>} : memref<528xi32, #tpu.memory_space<vmem>>, vector<16xi32>,
      %add3A_361 = arith.constant 48 : i32
      %add3A_362 = arith.addi %add3A_343, %add3A_361 : i32
      %swap3A_363 = arith.index_cast %add3A_362 : i32 to index
      %swap3A_364 = tpu.vector_load %arg6[%swap3A_363] {strides = array<i32>} : memref<528xi32, #tpu.memory_space<vmem>>, vector<16xi32>,
      tpu.vector_store %arg6[%swap3A_363], %broadcast_in_dim3A_5 {strides = array<i32>} : memref<528xi32, #tpu.memory_space<vmem>>, vector<16xi32>,
      %add3A_365 = arith.constant 64 : i32
      %add3A_366 = arith.addi %add3A_343, %add3A_365 : i32
      %swap3A_367 = arith.index_cast %add3A_366 : i32 to index
      %swap3A_368 = tpu.vector_load %arg6[%swap3A_367] {strides = array<i32>} : memref<528xi32, #tpu.memory_space<vmem>>, vector<16xi32>,
      tpu.vector_store %arg6[%swap3A_367], %broadcast_in_dim3A_5 {strides = array<i32>} : memref<528xi32, #tpu.memory_space<vmem>>, vector<16xi32>,
      %add3A_369 = arith.constant 80 : i32
      %add3A_370 = arith.addi %add3A_343, %add3A_369 : i32
      %swap3A_371 = arith.index_cast %add3A_370 : i32 to index
      %swap3A_372 = tpu.vector_load %arg6[%swap3A_371] {strides = array<i32>} : memref<528xi32, #tpu.memory_space<vmem>>, vector<16xi32>,
      tpu.vector_store %arg6[%swap3A_371], %broadcast_in_dim3A_5 {strides = array<i32>} : memref<528xi32, #tpu.memory_space<vmem>>, vector<16xi32>,
      %add3A_373 = arith.constant 96 : i32
      %add3A_374 = arith.addi %add3A_343, %add3A_373 : i32
      %swap3A_375 = arith.index_cast %add3A_374 : i32 to index
      %swap3A_376 = tpu.vector_load %arg6[%swap3A_375] {strides = array<i32>} : memref<528xi32, #tpu.memory_space<vmem>>, vector<16xi32>,
      tpu.vector_store %arg6[%swap3A_375], %broadcast_in_dim3A_5 {strides = array<i32>} : memref<528xi32, #tpu.memory_space<vmem>>, vector<16xi32>,
      %add3A_377 = arith.constant 112 : i32
      %add3A_378 = arith.addi %add3A_343, %add3A_377 : i32
      %swap3A_379 = arith.index_cast %add3A_378 : i32 to index
      %swap3A_380 = tpu.vector_load %arg6[%swap3A_379] {strides = array<i32>} : memref<528xi32, #tpu.memory_space<vmem>>, vector<16xi32>,
      tpu.vector_store %arg6[%swap3A_379], %broadcast_in_dim3A_5 {strides = array<i32>} : memref<528xi32, #tpu.memory_space<vmem>>, vector<16xi32>,
      %add3A_381 = arith.constant 127 : i32
      %add3A_382 = arith.addi %add3A_343, %add3A_381 : i32
      %jit3A = arith.constant 128 : i32
      %div3A = arith.divsi %add3A_382, %jit3A : i32
      %sign3A = arith.constant 0 : i32
      %sign3A_383 = arith.cmpi sgt, %add3A_382, %sign3A : i32
      %sign3A_384 = arith.extui %sign3A_383 : i1 to i32
      %sign3A_385 = arith.constant 0 : i32
      %sign3A_386 = arith.cmpi slt, %add3A_382, %sign3A_385 : i32
      %sign3A_387 = arith.extui %sign3A_386 : i1 to i32
      %sign3A_388 = arith.subi %sign3A_384, %sign3A_387 : i32
      %sign3A_389 = arith.constant 0 : i32
      %sign3A_390 = arith.cmpi sgt, %jit3A, %sign3A_389 : i32
      %sign3A_391 = arith.extui %sign3A_390 : i1 to i32
      %sign3A_392 = arith.constant 0 : i32
      %sign3A_393 = arith.cmpi slt, %jit3A, %sign3A_392 : i32
      %sign3A_394 = arith.extui %sign3A_393 : i1 to i32
      %sign3A_395 = arith.subi %sign3A_391, %sign3A_394 : i32
      %ne3A = arith.cmpi ne, %sign3A_388, %sign3A_395 : i32
      %rem3A = arith.remsi %add3A_382, %jit3A : i32
      %ne3A_396 = arith.constant 0 : i32
      %ne3A_397 = arith.cmpi ne, %rem3A, %ne3A_396 : i32
      %and3A_398 = arith.andi %ne3A, %ne3A_397 : i1
      %sub3A_399 = arith.constant 1 : i32
      %sub3A_400 = arith.subi %div3A, %sub3A_399 : i32
      %select_n3A = arith.select %and3A_398, %sub3A_400, %div3A : i32
      %while3A = arith.constant 0 : i32
      %while3A_401 = arith.constant 0 : i32
      %while3A_402 = arith.subi %select_n3A, %while3A_401 : i32
      %while3A_403 = arith.addi %while3A_401, %while3A_402 : i32
      %while3A_404 = arith.constant 1 : i32
      %while3A_405 = arith.divsi %while3A_402, %while3A_404 : i32
      %while3A_406 = arith.muli %while3A_405, %while3A_404 : i32
      %while3A_407 = arith.addi %while3A_401, %while3A_406 : i32
      %while3A_408 = arith.constant 1 : i32
      scf.for %while3A_596 = %while3A_401 to %while3A_407 step %while3A_408  : i32 {
        %mul3A_597 = arith.constant 128 : i32
        %mul3A_598 = arith.muli %while3A_596, %mul3A_597 : i32
        %mul3A_599 = arith.constant 128 : i32
        %mul3A_600 = arith.muli %while3A_596, %mul3A_599 : i32
        %dma_start3A_601 = arith.constant 0 : i32
        %dma_start3A_602 = tpu.memref_slice %arg7[%mul3A_600, %dma_start3A_601] : memref<512x32xf32, #tpu.memory_space<vmem>> -> memref<128x32xf32, #tpu.memory_space<vmem>>
        %dma_start3A_603 = tpu.memref_slice %arg6[%mul3A_598] : memref<528xi32, #tpu.memory_space<vmem>> -> memref<128xi32, #tpu.memory_space<vmem>>
        %dma_start3A_604 = arith.constant 0 : i32
        %dma_start3A_605 = arith.constant 0 : i32
        %dma_start3A_606 = tpu.memref_slice %arg9[%dma_start3A_604, %dma_start3A_605] : memref<50000x32xf32, #tpu.memory_space<vmem_shared>> -> memref<50000x32xf32, #tpu.memory_space<vmem_shared>>
        tpu.enqueue_indirect_dma source(%dma_start3A_606 : memref<50000x32xf32, #tpu.memory_space<vmem_shared>>) target(%dma_start3A_602 : memref<128x32xf32, #tpu.memory_space<vmem>>) offsets(%dma_start3A_603 : memref<128xi32, #tpu.memory_space<vmem>>) semaphore(%arg11 : memref<!tpu.dma_semaphore, #tpu.memory_space<semaphore_mem>>)
        %dma_wait3A_607 = arith.constant 0 : i32
        %dma_wait3A_608 = tpu.memref_slice %arg7[%mul3A_600, %dma_wait3A_607] : memref<512x32xf32, #tpu.memory_space<vmem>> -> memref<128x32xf32, #tpu.memory_space<vmem>>
        %dma_wait3A_609 = tpu.memref_slice %arg6[%mul3A_598] : memref<528xi32, #tpu.memory_space<vmem>> -> memref<128xi32, #tpu.memory_space<vmem>>
        %dma_wait3A_610 = arith.constant 0 : i32
        %dma_wait3A_611 = arith.constant 0 : i32
        %dma_wait3A_612 = tpu.memref_slice %arg9[%dma_wait3A_610, %dma_wait3A_611] : memref<50000x32xf32, #tpu.memory_space<vmem_shared>> -> memref<50000x32xf32, #tpu.memory_space<vmem_shared>>
        tpu.wait_indirect_dma semaphore(%arg11 : memref<!tpu.dma_semaphore, #tpu.memory_space<semaphore_mem>>) src(%dma_wait3A_612 : memref<50000x32xf32, #tpu.memory_space<vmem_shared>>) dst(%dma_wait3A_608 : memref<128x32xf32, #tpu.memory_space<vmem>>)
      }
      %while3A_409 = arith.constant 1 : i32
      scf.for %while3A_596 = %while3A_407 to %while3A_403 step %while3A_409  : i32 {
        %mul3A_597 = arith.constant 128 : i32
        %mul3A_598 = arith.muli %while3A_596, %mul3A_597 : i32
        %mul3A_599 = arith.constant 128 : i32
        %mul3A_600 = arith.muli %while3A_596, %mul3A_599 : i32
        %dma_start3A_601 = arith.constant 0 : i32
        %dma_start3A_602 = tpu.memref_slice %arg7[%mul3A_600, %dma_start3A_601] : memref<512x32xf32, #tpu.memory_space<vmem>> -> memref<128x32xf32, #tpu.memory_space<vmem>>
        %dma_start3A_603 = tpu.memref_slice %arg6[%mul3A_598] : memref<528xi32, #tpu.memory_space<vmem>> -> memref<128xi32, #tpu.memory_space<vmem>>
        %dma_start3A_604 = arith.constant 0 : i32
        %dma_start3A_605 = arith.constant 0 : i32
        %dma_start3A_606 = tpu.memref_slice %arg9[%dma_start3A_604, %dma_start3A_605] : memref<50000x32xf32, #tpu.memory_space<vmem_shared>> -> memref<50000x32xf32, #tpu.memory_space<vmem_shared>>
        tpu.enqueue_indirect_dma source(%dma_start3A_606 : memref<50000x32xf32, #tpu.memory_space<vmem_shared>>) target(%dma_start3A_602 : memref<128x32xf32, #tpu.memory_space<vmem>>) offsets(%dma_start3A_603 : memref<128xi32, #tpu.memory_space<vmem>>) semaphore(%arg11 : memref<!tpu.dma_semaphore, #tpu.memory_space<semaphore_mem>>)
        %dma_wait3A_607 = arith.constant 0 : i32
        %dma_wait3A_608 = tpu.memref_slice %arg7[%mul3A_600, %dma_wait3A_607] : memref<512x32xf32, #tpu.memory_space<vmem>> -> memref<128x32xf32, #tpu.memory_space<vmem>>
        %dma_wait3A_609 = tpu.memref_slice %arg6[%mul3A_598] : memref<528xi32, #tpu.memory_space<vmem>> -> memref<128xi32, #tpu.memory_space<vmem>>
        %dma_wait3A_610 = arith.constant 0 : i32
        %dma_wait3A_611 = arith.constant 0 : i32
        %dma_wait3A_612 = tpu.memref_slice %arg9[%dma_wait3A_610, %dma_wait3A_611] : memref<50000x32xf32, #tpu.memory_space<vmem_shared>> -> memref<50000x32xf32, #tpu.memory_space<vmem_shared>>
        tpu.wait_indirect_dma semaphore(%arg11 : memref<!tpu.dma_semaphore, #tpu.memory_space<semaphore_mem>>) src(%dma_wait3A_612 : memref<50000x32xf32, #tpu.memory_space<vmem_shared>>) dst(%dma_wait3A_608 : memref<128x32xf32, #tpu.memory_space<vmem>>)
      }
      %gt3A = arith.constant 0 : i32
      %gt3A_410 = arith.cmpi sgt, %scan3A_29, %gt3A : i32
      %convert_element_type3A_411 = arith.extui %gt3A_410 : i1 to i32
      %cond3A_412 = arith.constant 0 : i32
      %cond3A_413 = arith.cmpi ne, %convert_element_type3A_411, %cond3A_412 : i32
      scf.if %cond3A_413 {
        %dma_wait3A_596 = arith.constant 0 : i32
        %dma_wait3A_597 = tpu.memref_slice %arg4[%arg0, %add3A, %dma_wait3A_596] : memref<2x4096x32xf32, #tpu.memory_space<hbm>> -> memref<1x2x32xf32, #tpu.memory_space<hbm>>
        %dma_wait3A_598 = tpu.memref_squeeze %dma_wait3A_597 : memref<1x2x32xf32, #tpu.memory_space<hbm>> -> memref<2x32xf32, #tpu.memory_space<hbm>>
        %dma_wait3A_599 = arith.constant 0 : i32
        %dma_wait3A_600 = tpu.memref_slice %arg4[%arg0, %add3A, %dma_wait3A_599] : memref<2x4096x32xf32, #tpu.memory_space<hbm>> -> memref<1x2x32xf32, #tpu.memory_space<hbm>>
        %dma_wait3A_601 = tpu.memref_squeeze %dma_wait3A_600 : memref<1x2x32xf32, #tpu.memory_space<hbm>> -> memref<2x32xf32, #tpu.memory_space<hbm>>
        tpu.wait_dma2 semaphore(%arg12 : memref<!tpu.dma_semaphore, #tpu.memory_space<semaphore_mem>>) src(%arg8 : memref<2x32xf32, #tpu.memory_space<vmem>>) dst(%dma_wait3A_601 : memref<2x32xf32, #tpu.memory_space<hbm>>)
      } else {
      }
      %sub3A_414 = arith.constant 0 : i32
      %sub3A_415 = arith.subi %add3A_191, %sub3A_414 : i32
      %jit3A_416 = arith.constant 4 : i32
      %div3A_417 = arith.divsi %sub3A_415, %jit3A_416 : i32
      %sign3A_418 = arith.constant 0 : i32
      %sign3A_419 = arith.cmpi sgt, %sub3A_415, %sign3A_418 : i32
      %sign3A_420 = arith.extui %sign3A_419 : i1 to i32
      %sign3A_421 = arith.constant 0 : i32
      %sign3A_422 = arith.cmpi slt, %sub3A_415, %sign3A_421 : i32
      %sign3A_423 = arith.extui %sign3A_422 : i1 to i32
      %sign3A_424 = arith.subi %sign3A_420, %sign3A_423 : i32
      %sign3A_425 = arith.constant 0 : i32
      %sign3A_426 = arith.cmpi sgt, %jit3A_416, %sign3A_425 : i32
      %sign3A_427 = arith.extui %sign3A_426 : i1 to i32
      %sign3A_428 = arith.constant 0 : i32
      %sign3A_429 = arith.cmpi slt, %jit3A_416, %sign3A_428 : i32
      %sign3A_430 = arith.extui %sign3A_429 : i1 to i32
      %sign3A_431 = arith.subi %sign3A_427, %sign3A_430 : i32
      %ne3A_432 = arith.cmpi ne, %sign3A_424, %sign3A_431 : i32
      %rem3A_433 = arith.remsi %sub3A_415, %jit3A_416 : i32
      %ne3A_434 = arith.constant 0 : i32
      %ne3A_435 = arith.cmpi ne, %rem3A_433, %ne3A_434 : i32
      %and3A_436 = arith.andi %ne3A_432, %ne3A_435 : i1
      %sub3A_437 = arith.constant 1 : i32
      %sub3A_438 = arith.subi %div3A_417, %sub3A_437 : i32
      %select_n3A_439 = arith.select %and3A_436, %sub3A_438, %div3A_417 : i32
      %mul3A_440 = arith.constant 4 : i32
      %mul3A_441 = arith.muli %select_n3A_439, %mul3A_440 : i32
      %add3A_442 = arith.constant 0 : i32
      %add3A_443 = arith.addi %add3A_442, %mul3A_441 : i32
      %sub3A_444 = arith.constant 0 : i32
      %sub3A_445 = arith.subi %add3A_191, %sub3A_444 : i32
      %jit3A_446 = arith.constant 4 : i32
      %div3A_447 = arith.divsi %sub3A_445, %jit3A_446 : i32
      %sign3A_448 = arith.constant 0 : i32
      %sign3A_449 = arith.cmpi sgt, %sub3A_445, %sign3A_448 : i32
      %sign3A_450 = arith.extui %sign3A_449 : i1 to i32
      %sign3A_451 = arith.constant 0 : i32
      %sign3A_452 = arith.cmpi slt, %sub3A_445, %sign3A_451 : i32
      %sign3A_453 = arith.extui %sign3A_452 : i1 to i32
      %sign3A_454 = arith.subi %sign3A_450, %sign3A_453 : i32
      %sign3A_455 = arith.constant 0 : i32
      %sign3A_456 = arith.cmpi sgt, %jit3A_446, %sign3A_455 : i32
      %sign3A_457 = arith.extui %sign3A_456 : i1 to i32
      %sign3A_458 = arith.constant 0 : i32
      %sign3A_459 = arith.cmpi slt, %jit3A_446, %sign3A_458 : i32
      %sign3A_460 = arith.extui %sign3A_459 : i1 to i32
      %sign3A_461 = arith.subi %sign3A_457, %sign3A_460 : i32
      %ne3A_462 = arith.cmpi ne, %sign3A_454, %sign3A_461 : i32
      %rem3A_463 = arith.remsi %sub3A_445, %jit3A_446 : i32
      %ne3A_464 = arith.constant 0 : i32
      %ne3A_465 = arith.cmpi ne, %rem3A_463, %ne3A_464 : i32
      %and3A_466 = arith.andi %ne3A_462, %ne3A_465 : i1
      %sub3A_467 = arith.constant 1 : i32
      %sub3A_468 = arith.subi %div3A_447, %sub3A_467 : i32
      %select_n3A_469 = arith.select %and3A_466, %sub3A_468, %div3A_447 : i32
      %while3A_470 = arith.constant 0 : i32
      %while3A_471 = arith.constant 0 : i32
      %while3A_472 = arith.subi %select_n3A_469, %while3A_471 : i32
      %while3A_473 = arith.addi %while3A_471, %while3A_472 : i32
      %while3A_474 = arith.constant 1 : i32
      %while3A_475 = arith.divsi %while3A_472, %while3A_474 : i32
      %while3A_476 = arith.muli %while3A_475, %while3A_474 : i32
      %while3A_477 = arith.addi %while3A_471, %while3A_476 : i32
      %while3A_478 = arith.constant 1 : i32
      %while3A_479:2 = scf.for %while3A_596 = %while3A_471 to %while3A_477 step %while3A_478 iter_args(%while3A_597 = %broadcast_in_dim3A_7, %while3A_598 = %broadcast_in_dim3A_7) -> (vector<16xf32>, vector<16xf32>)  : i32 {
        %mul3A_599 = arith.constant 4 : i32
        %mul3A_600 = arith.muli %while3A_596, %mul3A_599 : i32
        %add3A_601 = arith.addi %while3A_470, %mul3A_600 : i32
        %get3A_602 = arith.index_cast %add3A_601 : i32 to index
        %get3A_603 = arith.constant 0 : index
        %get3A_604 = tpu.vector_load %arg7[%get3A_602, %get3A_603] {strides = array<i32>} : memref<512x32xf32, #tpu.memory_space<vmem>>, vector<16xf32>,
        %add3A_605 = arith.addf %while3A_597, %get3A_604 : vector<16xf32>
        %add3A_606 = arith.constant 1 : i32
        %add3A_607 = arith.addi %add3A_601, %add3A_606 : i32
        %get3A_608 = arith.index_cast %add3A_607 : i32 to index
        %get3A_609 = arith.constant 0 : index
        %get3A_610 = tpu.vector_load %arg7[%get3A_608, %get3A_609] {strides = array<i32>} : memref<512x32xf32, #tpu.memory_space<vmem>>, vector<16xf32>,
        %add3A_611 = arith.addf %add3A_605, %get3A_610 : vector<16xf32>
        %add3A_612 = arith.constant 2 : i32
        %add3A_613 = arith.addi %add3A_601, %add3A_612 : i32
        %get3A_614 = arith.index_cast %add3A_613 : i32 to index
        %get3A_615 = arith.constant 0 : index
        %get3A_616 = tpu.vector_load %arg7[%get3A_614, %get3A_615] {strides = array<i32>} : memref<512x32xf32, #tpu.memory_space<vmem>>, vector<16xf32>,
        %add3A_617 = arith.addf %add3A_611, %get3A_616 : vector<16xf32>
        %add3A_618 = arith.constant 3 : i32
        %add3A_619 = arith.addi %add3A_601, %add3A_618 : i32
        %get3A_620 = arith.index_cast %add3A_619 : i32 to index
        %get3A_621 = arith.constant 0 : index
        %get3A_622 = tpu.vector_load %arg7[%get3A_620, %get3A_621] {strides = array<i32>} : memref<512x32xf32, #tpu.memory_space<vmem>>, vector<16xf32>,
        %add3A_623 = arith.addf %add3A_617, %get3A_622 : vector<16xf32>
        %get3A_624 = arith.index_cast %add3A_601 : i32 to index
        %get3A_625 = arith.constant 16 : index
        %get3A_626 = tpu.vector_load %arg7[%get3A_624, %get3A_625] {strides = array<i32>} : memref<512x32xf32, #tpu.memory_space<vmem>>, vector<16xf32>,
        %add3A_627 = arith.addf %while3A_598, %get3A_626 : vector<16xf32>
        %add3A_628 = arith.constant 1 : i32
        %add3A_629 = arith.addi %add3A_601, %add3A_628 : i32
        %get3A_630 = arith.index_cast %add3A_629 : i32 to index
        %get3A_631 = arith.constant 16 : index
        %get3A_632 = tpu.vector_load %arg7[%get3A_630, %get3A_631] {strides = array<i32>} : memref<512x32xf32, #tpu.memory_space<vmem>>, vector<16xf32>,
        %add3A_633 = arith.addf %add3A_627, %get3A_632 : vector<16xf32>
        %add3A_634 = arith.constant 2 : i32
        %add3A_635 = arith.addi %add3A_601, %add3A_634 : i32
        %get3A_636 = arith.index_cast %add3A_635 : i32 to index
        %get3A_637 = arith.constant 16 : index
        %get3A_638 = tpu.vector_load %arg7[%get3A_636, %get3A_637] {strides = array<i32>} : memref<512x32xf32, #tpu.memory_space<vmem>>, vector<16xf32>,
        %add3A_639 = arith.addf %add3A_633, %get3A_638 : vector<16xf32>
        %add3A_640 = arith.constant 3 : i32
        %add3A_641 = arith.addi %add3A_601, %add3A_640 : i32
        %get3A_642 = arith.index_cast %add3A_641 : i32 to index
        %get3A_643 = arith.constant 16 : index
        %get3A_644 = tpu.vector_load %arg7[%get3A_642, %get3A_643] {strides = array<i32>} : memref<512x32xf32, #tpu.memory_space<vmem>>, vector<16xf32>,
        %add3A_645 = arith.addf %add3A_639, %get3A_644 : vector<16xf32>
        scf.yield %add3A_623, %add3A_645 : vector<16xf32>, vector<16xf32>
      }
      %while3A_480 = arith.constant 1 : i32
      %while3A_481:2 = scf.for %while3A_596 = %while3A_477 to %while3A_473 step %while3A_480 iter_args(%while3A_597 = %while3A_479#0, %while3A_598 = %while3A_479#1) -> (vector<16xf32>, vector<16xf32>)  : i32 {
        %mul3A_599 = arith.constant 4 : i32
        %mul3A_600 = arith.muli %while3A_596, %mul3A_599 : i32
        %add3A_601 = arith.addi %while3A_470, %mul3A_600 : i32
        %get3A_602 = arith.index_cast %add3A_601 : i32 to index
        %get3A_603 = arith.constant 0 : index
        %get3A_604 = tpu.vector_load %arg7[%get3A_602, %get3A_603] {strides = array<i32>} : memref<512x32xf32, #tpu.memory_space<vmem>>, vector<16xf32>,
        %add3A_605 = arith.addf %while3A_597, %get3A_604 : vector<16xf32>
        %add3A_606 = arith.constant 1 : i32
        %add3A_607 = arith.addi %add3A_601, %add3A_606 : i32
        %get3A_608 = arith.index_cast %add3A_607 : i32 to index
        %get3A_609 = arith.constant 0 : index
        %get3A_610 = tpu.vector_load %arg7[%get3A_608, %get3A_609] {strides = array<i32>} : memref<512x32xf32, #tpu.memory_space<vmem>>, vector<16xf32>,
        %add3A_611 = arith.addf %add3A_605, %get3A_610 : vector<16xf32>
        %add3A_612 = arith.constant 2 : i32
        %add3A_613 = arith.addi %add3A_601, %add3A_612 : i32
        %get3A_614 = arith.index_cast %add3A_613 : i32 to index
        %get3A_615 = arith.constant 0 : index
        %get3A_616 = tpu.vector_load %arg7[%get3A_614, %get3A_615] {strides = array<i32>} : memref<512x32xf32, #tpu.memory_space<vmem>>, vector<16xf32>,
        %add3A_617 = arith.addf %add3A_611, %get3A_616 : vector<16xf32>
        %add3A_618 = arith.constant 3 : i32
        %add3A_619 = arith.addi %add3A_601, %add3A_618 : i32
        %get3A_620 = arith.index_cast %add3A_619 : i32 to index
        %get3A_621 = arith.constant 0 : index
        %get3A_622 = tpu.vector_load %arg7[%get3A_620, %get3A_621] {strides = array<i32>} : memref<512x32xf32, #tpu.memory_space<vmem>>, vector<16xf32>,
        %add3A_623 = arith.addf %add3A_617, %get3A_622 : vector<16xf32>
        %get3A_624 = arith.index_cast %add3A_601 : i32 to index
        %get3A_625 = arith.constant 16 : index
        %get3A_626 = tpu.vector_load %arg7[%get3A_624, %get3A_625] {strides = array<i32>} : memref<512x32xf32, #tpu.memory_space<vmem>>, vector<16xf32>,
        %add3A_627 = arith.addf %while3A_598, %get3A_626 : vector<16xf32>
        %add3A_628 = arith.constant 1 : i32
        %add3A_629 = arith.addi %add3A_601, %add3A_628 : i32
        %get3A_630 = arith.index_cast %add3A_629 : i32 to index
        %get3A_631 = arith.constant 16 : index
        %get3A_632 = tpu.vector_load %arg7[%get3A_630, %get3A_631] {strides = array<i32>} : memref<512x32xf32, #tpu.memory_space<vmem>>, vector<16xf32>,
        %add3A_633 = arith.addf %add3A_627, %get3A_632 : vector<16xf32>
        %add3A_634 = arith.constant 2 : i32
        %add3A_635 = arith.addi %add3A_601, %add3A_634 : i32
        %get3A_636 = arith.index_cast %add3A_635 : i32 to index
        %get3A_637 = arith.constant 16 : index
        %get3A_638 = tpu.vector_load %arg7[%get3A_636, %get3A_637] {strides = array<i32>} : memref<512x32xf32, #tpu.memory_space<vmem>>, vector<16xf32>,
        %add3A_639 = arith.addf %add3A_633, %get3A_638 : vector<16xf32>
        %add3A_640 = arith.constant 3 : i32
        %add3A_641 = arith.addi %add3A_601, %add3A_640 : i32
        %get3A_642 = arith.index_cast %add3A_641 : i32 to index
        %get3A_643 = arith.constant 16 : index
        %get3A_644 = tpu.vector_load %arg7[%get3A_642, %get3A_643] {strides = array<i32>} : memref<512x32xf32, #tpu.memory_space<vmem>>, vector<16xf32>,
        %add3A_645 = arith.addf %add3A_639, %get3A_644 : vector<16xf32>
        scf.yield %add3A_623, %add3A_645 : vector<16xf32>, vector<16xf32>
      }
      %while3A_482 = arith.subi %add3A_191, %add3A_443 : i32
      %while3A_483 = arith.addi %add3A_443, %while3A_482 : i32
      %while3A_484 = arith.constant 1 : i32
      %while3A_485 = arith.divsi %while3A_482, %while3A_484 : i32
      %while3A_486 = arith.muli %while3A_485, %while3A_484 : i32
      %while3A_487 = arith.addi %add3A_443, %while3A_486 : i32
      %while3A_488 = arith.constant 1 : i32
      %while3A_489:2 = scf.for %while3A_596 = %add3A_443 to %while3A_487 step %while3A_488 iter_args(%while3A_597 = %while3A_481#0, %while3A_598 = %while3A_481#1) -> (vector<16xf32>, vector<16xf32>)  : i32 {
        %get3A_599 = arith.index_cast %while3A_596 : i32 to index
        %get3A_600 = arith.constant 0 : index
        %get3A_601 = tpu.vector_load %arg7[%get3A_599, %get3A_600] {strides = array<i32>} : memref<512x32xf32, #tpu.memory_space<vmem>>, vector<16xf32>,
        %add3A_602 = arith.addf %while3A_597, %get3A_601 : vector<16xf32>
        %get3A_603 = arith.index_cast %while3A_596 : i32 to index
        %get3A_604 = arith.constant 16 : index
        %get3A_605 = tpu.vector_load %arg7[%get3A_603, %get3A_604] {strides = array<i32>} : memref<512x32xf32, #tpu.memory_space<vmem>>, vector<16xf32>,
        %add3A_606 = arith.addf %while3A_598, %get3A_605 : vector<16xf32>
        scf.yield %add3A_602, %add3A_606 : vector<16xf32>, vector<16xf32>
      }
      %while3A_490 = arith.constant 1 : i32
      %while3A_491:2 = scf.for %while3A_596 = %while3A_487 to %while3A_483 step %while3A_490 iter_args(%while3A_597 = %while3A_489#0, %while3A_598 = %while3A_489#1) -> (vector<16xf32>, vector<16xf32>)  : i32 {
        %get3A_599 = arith.index_cast %while3A_596 : i32 to index
        %get3A_600 = arith.constant 0 : index
        %get3A_601 = tpu.vector_load %arg7[%get3A_599, %get3A_600] {strides = array<i32>} : memref<512x32xf32, #tpu.memory_space<vmem>>, vector<16xf32>,
        %add3A_602 = arith.addf %while3A_597, %get3A_601 : vector<16xf32>
        %get3A_603 = arith.index_cast %while3A_596 : i32 to index
        %get3A_604 = arith.constant 16 : index
        %get3A_605 = tpu.vector_load %arg7[%get3A_603, %get3A_604] {strides = array<i32>} : memref<512x32xf32, #tpu.memory_space<vmem>>, vector<16xf32>,
        %add3A_606 = arith.addf %while3A_598, %get3A_605 : vector<16xf32>
        scf.yield %add3A_602, %add3A_606 : vector<16xf32>, vector<16xf32>
      }
      %mul3A_492 = vector.broadcast %scan3A_18 : f32 to vector<16xf32>
      %mul3A_493 = arith.mulf %while3A_491#0, %mul3A_492 : vector<16xf32>
      %swap3A_494 = arith.constant 0 : i32
      %swap3A_495 = arith.index_cast %swap3A_494 : i32 to index
      %swap3A_496 = arith.constant 0 : index
      %swap3A_497 = tpu.vector_load %arg8[%swap3A_495, %swap3A_496] {strides = array<i32>} : memref<2x32xf32, #tpu.memory_space<vmem>>, vector<16xf32>,
      tpu.vector_store %arg8[%swap3A_495, %swap3A_496], %mul3A_493 {strides = array<i32>} : memref<2x32xf32, #tpu.memory_space<vmem>>, vector<16xf32>,
      %mul3A_498 = vector.broadcast %scan3A_18 : f32 to vector<16xf32>
      %mul3A_499 = arith.mulf %while3A_491#1, %mul3A_498 : vector<16xf32>
      %swap3A_500 = arith.constant 0 : i32
      %swap3A_501 = arith.index_cast %swap3A_500 : i32 to index
      %swap3A_502 = arith.constant 16 : index
      %swap3A_503 = tpu.vector_load %arg8[%swap3A_501, %swap3A_502] {strides = array<i32>} : memref<2x32xf32, #tpu.memory_space<vmem>>, vector<16xf32>,
      tpu.vector_store %arg8[%swap3A_501, %swap3A_502], %mul3A_499 {strides = array<i32>} : memref<2x32xf32, #tpu.memory_space<vmem>>, vector<16xf32>,
      %sub3A_504 = arith.subi %add3A_343, %add3A_191 : i32
      %jit3A_505 = arith.constant 4 : i32
      %div3A_506 = arith.divsi %sub3A_504, %jit3A_505 : i32
      %sign3A_507 = arith.constant 0 : i32
      %sign3A_508 = arith.cmpi sgt, %sub3A_504, %sign3A_507 : i32
      %sign3A_509 = arith.extui %sign3A_508 : i1 to i32
      %sign3A_510 = arith.constant 0 : i32
      %sign3A_511 = arith.cmpi slt, %sub3A_504, %sign3A_510 : i32
      %sign3A_512 = arith.extui %sign3A_511 : i1 to i32
      %sign3A_513 = arith.subi %sign3A_509, %sign3A_512 : i32
      %sign3A_514 = arith.constant 0 : i32
      %sign3A_515 = arith.cmpi sgt, %jit3A_505, %sign3A_514 : i32
      %sign3A_516 = arith.extui %sign3A_515 : i1 to i32
      %sign3A_517 = arith.constant 0 : i32
      %sign3A_518 = arith.cmpi slt, %jit3A_505, %sign3A_517 : i32
      %sign3A_519 = arith.extui %sign3A_518 : i1 to i32
      %sign3A_520 = arith.subi %sign3A_516, %sign3A_519 : i32
      %ne3A_521 = arith.cmpi ne, %sign3A_513, %sign3A_520 : i32
      %rem3A_522 = arith.remsi %sub3A_504, %jit3A_505 : i32
      %ne3A_523 = arith.constant 0 : i32
      %ne3A_524 = arith.cmpi ne, %rem3A_522, %ne3A_523 : i32
      %and3A_525 = arith.andi %ne3A_521, %ne3A_524 : i1
      %sub3A_526 = arith.constant 1 : i32
      %sub3A_527 = arith.subi %div3A_506, %sub3A_526 : i32
      %select_n3A_528 = arith.select %and3A_525, %sub3A_527, %div3A_506 : i32
      %mul3A_529 = arith.constant 4 : i32
      %mul3A_530 = arith.muli %select_n3A_528, %mul3A_529 : i32
      %add3A_531 = arith.addi %add3A_191, %mul3A_530 : i32
      %sub3A_532 = arith.subi %add3A_343, %add3A_191 : i32
      %jit3A_533 = arith.constant 4 : i32
      %div3A_534 = arith.divsi %sub3A_532, %jit3A_533 : i32
      %sign3A_535 = arith.constant 0 : i32
      %sign3A_536 = arith.cmpi sgt, %sub3A_532, %sign3A_535 : i32
      %sign3A_537 = arith.extui %sign3A_536 : i1 to i32
      %sign3A_538 = arith.constant 0 : i32
      %sign3A_539 = arith.cmpi slt, %sub3A_532, %sign3A_538 : i32
      %sign3A_540 = arith.extui %sign3A_539 : i1 to i32
      %sign3A_541 = arith.subi %sign3A_537, %sign3A_540 : i32
      %sign3A_542 = arith.constant 0 : i32
      %sign3A_543 = arith.cmpi sgt, %jit3A_533, %sign3A_542 : i32
      %sign3A_544 = arith.extui %sign3A_543 : i1 to i32
      %sign3A_545 = arith.constant 0 : i32
      %sign3A_546 = arith.cmpi slt, %jit3A_533, %sign3A_545 : i32
      %sign3A_547 = arith.extui %sign3A_546 : i1 to i32
      %sign3A_548 = arith.subi %sign3A_544, %sign3A_547 : i32
      %ne3A_549 = arith.cmpi ne, %sign3A_541, %sign3A_548 : i32
      %rem3A_550 = arith.remsi %sub3A_532, %jit3A_533 : i32
      %ne3A_551 = arith.constant 0 : i32
      %ne3A_552 = arith.cmpi ne, %rem3A_550, %ne3A_551 : i32
      %and3A_553 = arith.andi %ne3A_549, %ne3A_552 : i1
      %sub3A_554 = arith.constant 1 : i32
      %sub3A_555 = arith.subi %div3A_534, %sub3A_554 : i32
      %select_n3A_556 = arith.select %and3A_553, %sub3A_555, %div3A_534 : i32
      %while3A_557 = arith.constant 0 : i32
      %while3A_558 = arith.subi %select_n3A_556, %while3A_557 : i32
      %while3A_559 = arith.addi %while3A_557, %while3A_558 : i32
      %while3A_560 = arith.constant 1 : i32
      %while3A_561 = arith.divsi %while3A_558, %while3A_560 : i32
      %while3A_562 = arith.muli %while3A_561, %while3A_560 : i32
      %while3A_563 = arith.addi %while3A_557, %while3A_562 : i32
      %while3A_564 = arith.constant 1 : i32
      %while3A_565:2 = scf.for %while3A_596 = %while3A_557 to %while3A_563 step %while3A_564 iter_args(%while3A_597 = %broadcast_in_dim3A_7, %while3A_598 = %broadcast_in_dim3A_7) -> (vector<16xf32>, vector<16xf32>)  : i32 {
        %mul3A_599 = arith.constant 4 : i32
        %mul3A_600 = arith.muli %while3A_596, %mul3A_599 : i32
        %add3A_601 = arith.addi %add3A_191, %mul3A_600 : i32
        %get3A_602 = arith.index_cast %add3A_601 : i32 to index
        %get3A_603 = arith.constant 0 : index
        %get3A_604 = tpu.vector_load %arg7[%get3A_602, %get3A_603] {strides = array<i32>} : memref<512x32xf32, #tpu.memory_space<vmem>>, vector<16xf32>,
        %add3A_605 = arith.addf %while3A_597, %get3A_604 : vector<16xf32>
        %add3A_606 = arith.constant 1 : i32
        %add3A_607 = arith.addi %add3A_601, %add3A_606 : i32
        %get3A_608 = arith.index_cast %add3A_607 : i32 to index
        %get3A_609 = arith.constant 0 : index
        %get3A_610 = tpu.vector_load %arg7[%get3A_608, %get3A_609] {strides = array<i32>} : memref<512x32xf32, #tpu.memory_space<vmem>>, vector<16xf32>,
        %add3A_611 = arith.addf %add3A_605, %get3A_610 : vector<16xf32>
        %add3A_612 = arith.constant 2 : i32
        %add3A_613 = arith.addi %add3A_601, %add3A_612 : i32
        %get3A_614 = arith.index_cast %add3A_613 : i32 to index
        %get3A_615 = arith.constant 0 : index
        %get3A_616 = tpu.vector_load %arg7[%get3A_614, %get3A_615] {strides = array<i32>} : memref<512x32xf32, #tpu.memory_space<vmem>>, vector<16xf32>,
        %add3A_617 = arith.addf %add3A_611, %get3A_616 : vector<16xf32>
        %add3A_618 = arith.constant 3 : i32
        %add3A_619 = arith.addi %add3A_601, %add3A_618 : i32
        %get3A_620 = arith.index_cast %add3A_619 : i32 to index
        %get3A_621 = arith.constant 0 : index
        %get3A_622 = tpu.vector_load %arg7[%get3A_620, %get3A_621] {strides = array<i32>} : memref<512x32xf32, #tpu.memory_space<vmem>>, vector<16xf32>,
        %add3A_623 = arith.addf %add3A_617, %get3A_622 : vector<16xf32>
        %get3A_624 = arith.index_cast %add3A_601 : i32 to index
        %get3A_625 = arith.constant 16 : index
        %get3A_626 = tpu.vector_load %arg7[%get3A_624, %get3A_625] {strides = array<i32>} : memref<512x32xf32, #tpu.memory_space<vmem>>, vector<16xf32>,
        %add3A_627 = arith.addf %while3A_598, %get3A_626 : vector<16xf32>
        %add3A_628 = arith.constant 1 : i32
        %add3A_629 = arith.addi %add3A_601, %add3A_628 : i32
        %get3A_630 = arith.index_cast %add3A_629 : i32 to index
        %get3A_631 = arith.constant 16 : index
        %get3A_632 = tpu.vector_load %arg7[%get3A_630, %get3A_631] {strides = array<i32>} : memref<512x32xf32, #tpu.memory_space<vmem>>, vector<16xf32>,
        %add3A_633 = arith.addf %add3A_627, %get3A_632 : vector<16xf32>
        %add3A_634 = arith.constant 2 : i32
        %add3A_635 = arith.addi %add3A_601, %add3A_634 : i32
        %get3A_636 = arith.index_cast %add3A_635 : i32 to index
        %get3A_637 = arith.constant 16 : index
        %get3A_638 = tpu.vector_load %arg7[%get3A_636, %get3A_637] {strides = array<i32>} : memref<512x32xf32, #tpu.memory_space<vmem>>, vector<16xf32>,
        %add3A_639 = arith.addf %add3A_633, %get3A_638 : vector<16xf32>
        %add3A_640 = arith.constant 3 : i32
        %add3A_641 = arith.addi %add3A_601, %add3A_640 : i32
        %get3A_642 = arith.index_cast %add3A_641 : i32 to index
        %get3A_643 = arith.constant 16 : index
        %get3A_644 = tpu.vector_load %arg7[%get3A_642, %get3A_643] {strides = array<i32>} : memref<512x32xf32, #tpu.memory_space<vmem>>, vector<16xf32>,
        %add3A_645 = arith.addf %add3A_639, %get3A_644 : vector<16xf32>
        scf.yield %add3A_623, %add3A_645 : vector<16xf32>, vector<16xf32>
      }
      %while3A_566 = arith.constant 1 : i32
      %while3A_567:2 = scf.for %while3A_596 = %while3A_563 to %while3A_559 step %while3A_566 iter_args(%while3A_597 = %while3A_565#0, %while3A_598 = %while3A_565#1) -> (vector<16xf32>, vector<16xf32>)  : i32 {
        %mul3A_599 = arith.constant 4 : i32
        %mul3A_600 = arith.muli %while3A_596, %mul3A_599 : i32
        %add3A_601 = arith.addi %add3A_191, %mul3A_600 : i32
        %get3A_602 = arith.index_cast %add3A_601 : i32 to index
        %get3A_603 = arith.constant 0 : index
        %get3A_604 = tpu.vector_load %arg7[%get3A_602, %get3A_603] {strides = array<i32>} : memref<512x32xf32, #tpu.memory_space<vmem>>, vector<16xf32>,
        %add3A_605 = arith.addf %while3A_597, %get3A_604 : vector<16xf32>
        %add3A_606 = arith.constant 1 : i32
        %add3A_607 = arith.addi %add3A_601, %add3A_606 : i32
        %get3A_608 = arith.index_cast %add3A_607 : i32 to index
        %get3A_609 = arith.constant 0 : index
        %get3A_610 = tpu.vector_load %arg7[%get3A_608, %get3A_609] {strides = array<i32>} : memref<512x32xf32, #tpu.memory_space<vmem>>, vector<16xf32>,
        %add3A_611 = arith.addf %add3A_605, %get3A_610 : vector<16xf32>
        %add3A_612 = arith.constant 2 : i32
        %add3A_613 = arith.addi %add3A_601, %add3A_612 : i32
        %get3A_614 = arith.index_cast %add3A_613 : i32 to index
        %get3A_615 = arith.constant 0 : index
        %get3A_616 = tpu.vector_load %arg7[%get3A_614, %get3A_615] {strides = array<i32>} : memref<512x32xf32, #tpu.memory_space<vmem>>, vector<16xf32>,
        %add3A_617 = arith.addf %add3A_611, %get3A_616 : vector<16xf32>
        %add3A_618 = arith.constant 3 : i32
        %add3A_619 = arith.addi %add3A_601, %add3A_618 : i32
        %get3A_620 = arith.index_cast %add3A_619 : i32 to index
        %get3A_621 = arith.constant 0 : index
        %get3A_622 = tpu.vector_load %arg7[%get3A_620, %get3A_621] {strides = array<i32>} : memref<512x32xf32, #tpu.memory_space<vmem>>, vector<16xf32>,
        %add3A_623 = arith.addf %add3A_617, %get3A_622 : vector<16xf32>
        %get3A_624 = arith.index_cast %add3A_601 : i32 to index
        %get3A_625 = arith.constant 16 : index
        %get3A_626 = tpu.vector_load %arg7[%get3A_624, %get3A_625] {strides = array<i32>} : memref<512x32xf32, #tpu.memory_space<vmem>>, vector<16xf32>,
        %add3A_627 = arith.addf %while3A_598, %get3A_626 : vector<16xf32>
        %add3A_628 = arith.constant 1 : i32
        %add3A_629 = arith.addi %add3A_601, %add3A_628 : i32
        %get3A_630 = arith.index_cast %add3A_629 : i32 to index
        %get3A_631 = arith.constant 16 : index
        %get3A_632 = tpu.vector_load %arg7[%get3A_630, %get3A_631] {strides = array<i32>} : memref<512x32xf32, #tpu.memory_space<vmem>>, vector<16xf32>,
        %add3A_633 = arith.addf %add3A_627, %get3A_632 : vector<16xf32>
        %add3A_634 = arith.constant 2 : i32
        %add3A_635 = arith.addi %add3A_601, %add3A_634 : i32
        %get3A_636 = arith.index_cast %add3A_635 : i32 to index
        %get3A_637 = arith.constant 16 : index
        %get3A_638 = tpu.vector_load %arg7[%get3A_636, %get3A_637] {strides = array<i32>} : memref<512x32xf32, #tpu.memory_space<vmem>>, vector<16xf32>,
        %add3A_639 = arith.addf %add3A_633, %get3A_638 : vector<16xf32>
        %add3A_640 = arith.constant 3 : i32
        %add3A_641 = arith.addi %add3A_601, %add3A_640 : i32
        %get3A_642 = arith.index_cast %add3A_641 : i32 to index
        %get3A_643 = arith.constant 16 : index
        %get3A_644 = tpu.vector_load %arg7[%get3A_642, %get3A_643] {strides = array<i32>} : memref<512x32xf32, #tpu.memory_space<vmem>>, vector<16xf32>,
        %add3A_645 = arith.addf %add3A_639, %get3A_644 : vector<16xf32>
        scf.yield %add3A_623, %add3A_645 : vector<16xf32>, vector<16xf32>
      }
      %while3A_568 = arith.subi %add3A_343, %add3A_531 : i32
      %while3A_569 = arith.addi %add3A_531, %while3A_568 : i32
      %while3A_570 = arith.constant 1 : i32
      %while3A_571 = arith.divsi %while3A_568, %while3A_570 : i32
      %while3A_572 = arith.muli %while3A_571, %while3A_570 : i32
      %while3A_573 = arith.addi %add3A_531, %while3A_572 : i32
      %while3A_574 = arith.constant 1 : i32
      %while3A_575:2 = scf.for %while3A_596 = %add3A_531 to %while3A_573 step %while3A_574 iter_args(%while3A_597 = %while3A_567#0, %while3A_598 = %while3A_567#1) -> (vector<16xf32>, vector<16xf32>)  : i32 {
        %get3A_599 = arith.index_cast %while3A_596 : i32 to index
        %get3A_600 = arith.constant 0 : index
        %get3A_601 = tpu.vector_load %arg7[%get3A_599, %get3A_600] {strides = array<i32>} : memref<512x32xf32, #tpu.memory_space<vmem>>, vector<16xf32>,
        %add3A_602 = arith.addf %while3A_597, %get3A_601 : vector<16xf32>
        %get3A_603 = arith.index_cast %while3A_596 : i32 to index
        %get3A_604 = arith.constant 16 : index
        %get3A_605 = tpu.vector_load %arg7[%get3A_603, %get3A_604] {strides = array<i32>} : memref<512x32xf32, #tpu.memory_space<vmem>>, vector<16xf32>,
        %add3A_606 = arith.addf %while3A_598, %get3A_605 : vector<16xf32>
        scf.yield %add3A_602, %add3A_606 : vector<16xf32>, vector<16xf32>
      }
      %while3A_576 = arith.constant 1 : i32
      %while3A_577:2 = scf.for %while3A_596 = %while3A_573 to %while3A_569 step %while3A_576 iter_args(%while3A_597 = %while3A_575#0, %while3A_598 = %while3A_575#1) -> (vector<16xf32>, vector<16xf32>)  : i32 {
        %get3A_599 = arith.index_cast %while3A_596 : i32 to index
        %get3A_600 = arith.constant 0 : index
        %get3A_601 = tpu.vector_load %arg7[%get3A_599, %get3A_600] {strides = array<i32>} : memref<512x32xf32, #tpu.memory_space<vmem>>, vector<16xf32>,
        %add3A_602 = arith.addf %while3A_597, %get3A_601 : vector<16xf32>
        %get3A_603 = arith.index_cast %while3A_596 : i32 to index
        %get3A_604 = arith.constant 16 : index
        %get3A_605 = tpu.vector_load %arg7[%get3A_603, %get3A_604] {strides = array<i32>} : memref<512x32xf32, #tpu.memory_space<vmem>>, vector<16xf32>,
        %add3A_606 = arith.addf %while3A_598, %get3A_605 : vector<16xf32>
        scf.yield %add3A_602, %add3A_606 : vector<16xf32>, vector<16xf32>
      }
      %mul3A_578 = vector.broadcast %scan3A_18 : f32 to vector<16xf32>
      %mul3A_579 = arith.mulf %while3A_577#0, %mul3A_578 : vector<16xf32>
      %swap3A_580 = arith.constant 1 : i32
      %swap3A_581 = arith.index_cast %swap3A_580 : i32 to index
      %swap3A_582 = arith.constant 0 : index
      %swap3A_583 = tpu.vector_load %arg8[%swap3A_581, %swap3A_582] {strides = array<i32>} : memref<2x32xf32, #tpu.memory_space<vmem>>, vector<16xf32>,
      tpu.vector_store %arg8[%swap3A_581, %swap3A_582], %mul3A_579 {strides = array<i32>} : memref<2x32xf32, #tpu.memory_space<vmem>>, vector<16xf32>,
      %mul3A_584 = vector.broadcast %scan3A_18 : f32 to vector<16xf32>
      %mul3A_585 = arith.mulf %while3A_577#1, %mul3A_584 : vector<16xf32>
      %swap3A_586 = arith.constant 1 : i32
      %swap3A_587 = arith.index_cast %swap3A_586 : i32 to index
      %swap3A_588 = arith.constant 16 : index
      %swap3A_589 = tpu.vector_load %arg8[%swap3A_587, %swap3A_588] {strides = array<i32>} : memref<2x32xf32, #tpu.memory_space<vmem>>, vector<16xf32>,
      tpu.vector_store %arg8[%swap3A_587, %swap3A_588], %mul3A_585 {strides = array<i32>} : memref<2x32xf32, #tpu.memory_space<vmem>>, vector<16xf32>,
      %dma_start3A_590 = arith.constant 0 : i32
      %dma_start3A_591 = tpu.memref_slice %arg4[%arg0, %add3A, %dma_start3A_590] : memref<2x4096x32xf32, #tpu.memory_space<hbm>> -> memref<1x2x32xf32, #tpu.memory_space<hbm>>
      %dma_start3A_592 = tpu.memref_squeeze %dma_start3A_591 : memref<1x2x32xf32, #tpu.memory_space<hbm>> -> memref<2x32xf32, #tpu.memory_space<hbm>>
      %dma_start3A_593 = arith.constant 0 : i32
      %dma_start3A_594 = tpu.memref_slice %arg4[%arg0, %add3A, %dma_start3A_593] : memref<2x4096x32xf32, #tpu.memory_space<hbm>> -> memref<1x2x32xf32, #tpu.memory_space<hbm>>
      %dma_start3A_595 = tpu.memref_squeeze %dma_start3A_594 : memref<1x2x32xf32, #tpu.memory_space<hbm>> -> memref<2x32xf32, #tpu.memory_space<hbm>>
      tpu.enqueue_dma source(%arg8 : memref<2x32xf32, #tpu.memory_space<vmem>>) target(%dma_start3A_595 : memref<2x32xf32, #tpu.memory_space<hbm>>) target_semaphore(%arg12 : memref<!tpu.dma_semaphore, #tpu.memory_space<semaphore_mem>>)
    }
    %scan3A_23 = arith.constant 128 : i32
    %dma_wait3A = arith.constant 0 : i32
    %dma_wait3A_24 = tpu.memref_slice %arg4[%arg0, %mul3A_0, %dma_wait3A] : memref<2x4096x32xf32, #tpu.memory_space<hbm>> -> memref<1x2x32xf32, #tpu.memory_space<hbm>>
    %dma_wait3A_25 = tpu.memref_squeeze %dma_wait3A_24 : memref<1x2x32xf32, #tpu.memory_space<hbm>> -> memref<2x32xf32, #tpu.memory_space<hbm>>
    %dma_wait3A_26 = arith.constant 0 : i32
    %dma_wait3A_27 = tpu.memref_slice %arg4[%arg0, %mul3A_0, %dma_wait3A_26] : memref<2x4096x32xf32, #tpu.memory_space<hbm>> -> memref<1x2x32xf32, #tpu.memory_space<hbm>>
    %dma_wait3A_28 = tpu.memref_squeeze %dma_wait3A_27 : memref<1x2x32xf32, #tpu.memory_space<hbm>> -> memref<2x32xf32, #tpu.memory_space<hbm>>
    tpu.wait_dma2 semaphore(%arg12 : memref<!tpu.dma_semaphore, #tpu.memory_space<semaphore_mem>>) src(%arg8 : memref<2x32xf32, #tpu.memory_space<vmem>>) dst(%dma_wait3A_28 : memref<2x32xf32, #tpu.memory_space<hbm>>)
    return
  }
}

module attributes {stable_mosaic.version = 14 : i64} {
  func.func @_combine_body(%arg0: memref<2x4096x32xf32, #tpu.memory_space<vmem>>, %arg1: memref<4096x32xf32, #tpu.memory_space<vmem>>) attributes {dimension_semantics = [], scalar_prefetch = 0 : i64, scratch_operands = 0 : i64, tpu.core_type = #tpu.core_type<tc>} {
    %get3A = arith.constant 0 : index
    %get3A_0 = arith.constant 0 : index
    %get3A_1 = arith.constant 0 : index
    %get3A_2 = vector.load %arg0[%get3A, %get3A_0, %get3A_1] : memref<2x4096x32xf32, #tpu.memory_space<vmem>>, vector<1x4096x32xf32>
    %get3A_3 = vector.shape_cast %get3A_2 : vector<1x4096x32xf32> to vector<4096x32xf32>
    %get3A_4 = arith.constant 1 : index
    %get3A_5 = arith.constant 0 : index
    %get3A_6 = arith.constant 0 : index
    %get3A_7 = vector.load %arg0[%get3A_4, %get3A_5, %get3A_6] : memref<2x4096x32xf32, #tpu.memory_space<vmem>>, vector<1x4096x32xf32>
    %get3A_8 = vector.shape_cast %get3A_7 : vector<1x4096x32xf32> to vector<4096x32xf32>
    %add3A = arith.addf %get3A_3, %get3A_8 : vector<4096x32xf32>
    %swap3A = arith.constant 0 : index
    %swap3A_9 = arith.constant 0 : index
    %swap3A_10 = vector.load %arg1[%swap3A, %swap3A_9] : memref<4096x32xf32, #tpu.memory_space<vmem>>, vector<4096x32xf32>
    tpu.vector_store %arg1[%swap3A, %swap3A_9], %add3A {strides = array<i32>} : memref<4096x32xf32, #tpu.memory_space<vmem>>, vector<4096x32xf32>,
    return
  }
}

</mosaic_0001>

<sc_bundles>
// kernel: _run.4.cloned.1.call-start
scs
__scs_entry_jumppad:
0x0: {  	(pc) =	sbr.rel $0x88, $3  }
0x1: {  	(tag) =	ssettag $0x0;
	lr =	simm.s32 $0x1  }
0x2: {  	[smem:$0x3F9F] =	sst lr;
	_ =	strace $0xD0000000  }
0x3: {  	_ = 	snop  }
0x4: {  	_ = 	snop  }
0x5: {  	_ = 	snop  }
0x6: {  	_ = 	snop  }
0x7: {  	_ = 	snop  }
__scs_overlays_trampoline_lowered:
0x8: {  	[smem:$0x3FAE] =	sst s0  }
0x9: {  	[smem:$0x3FAF] =	sst s1  }
0xa: {  	[smem:$0x3FB0] =	sst s2  }
0xb: {  	[smem:$0x3FB1] =	sst s3  }
0xc: {  	[smem:$0x3FB2] =	sst s4  }
0xd: {  	[smem:$0x3FB3] =	sst s5  }
0xe: {  	[smem:$0x3FB4] =	sst s6  }
0xf: {  	[smem:$0x3FB5] =	sst s7  }
0x10: {  	[smem:$0x3FB6] =	sst s8  }
0x11: {  	[smem:$0x3FB7] =	sst s9;
	s0 =	simm.s32 @!p0 $0x0  }
0x12: {  	s1 =	sld [smem:$0x3F9D];
	s0 =	simm.s32 @p0 $0x1  }
0x13: {  	[smem:$0x3FB8] =	sst s0;
	s0 =	simm.s32 @!p1 $0x0  }
0x14: {  	s2 =	sld [smem:$0x3F9C];
	s0 =	simm.s32 @p1 $0x1  }
0x15: {  	[smem:$0x3FB9] =	sst s0;
	s0 =	simm.s32 @!p2 $0x0  }
0x16: {  	s3 =	sld [smem:$0x3FDB];
	s0 =	simm.s32 @p2 $0x1  }
0x17: {  	s4 =	simm.s32 $0x1BF5;
	[smem:$0x3FBB] =	sst s0  }
0x18: {  	s0 =	sld [smem:$0x3F9E];
	_ =	swait.ge [sflag:s4], $0x0  }
0x19: {  	s7 =	sld [smem:$0x3F9F]  }
0x1a: {  	s8 =	sadd.s32 $0xFFFFE003, lr  }
0x1b: {  	s9 =	sadd.s32 $0xFFFFFEF7, lr;
	s5 =	simm.s32 $0xFFFFFFFF;
	p2 =	slt.u32 s8, $0xFFFFF086  }
0x1c: {  	p1 =	slt.u32 s9, $0xF7A;
	s5 =	simm.s32 @!p2 $0x0  }
0x1d: {  	s5 =	simm.s32 @p1 $0x1;
	p0 =	seq.s32 s7, s2  }
0x1e: {  	s7 =	smul.u32 @!p0 $0xF7A, s2;
	p2 =	seq.s32 @!p0 s5, $0x0  }
0x1f: {  	s9 =	smul.u32 $0xF7A, s1;
	s8 =	simm.s32 @!p0 $0x1BF5;
	p2 =	por !p2, p0  }
0x20: {  	[sflag:s8] =	ssyncset.s32 @!p0 $0xFFFFF086;
	s6 =	sadd.s32 @!p0 s3, s7;
	s7 =	simm.s32 @!p0 $0x108  }
0x21: {  	s3 =	sadd.s32 s3, s9;
	s6 =	sadd.s32 @!p0 $0x88, s6;
	s7 =	simm.s32 @p2 $0x1082  }
0x22: {  	[simem:s7], [sflag:s8] =	dma.local @!p0 [hbm:s6], $0xF7A  }
0x23: {  	s9 =	sor.u32 $0xD0000000, s2;
	s6 =	simm.s32 $0x108;
	_ =	swait.ge @!p0 [sflag:s8], $0x0  }
0x24: {  	s3 =	sadd.s32 $0x88, s3;
	s6 =	simm.s32 @!p1 $0x1082;
	[sflag:s4] =	ssyncset.s32 $0xFFFFF086  }
0x25: {  	[simem:s6], [sflag:s4] =	dma.local [hbm:s3], $0xF7A  }
0x26: {  	[smem:$0x3F9F] =	sst s1;
	(tag) =	ssettag s2;
	_ =	strace s9  }
0x27: {  	s1 =	sld [smem:$0x3FAF]  }
0x28: {  	s2 =	sld [smem:$0x3FB0]  }
0x29: {  	s4 =	sld [smem:$0x3FB2]  }
0x2a: {  	p0 =	seq.s32 s5, $0x0;
	s5 =	sld [smem:$0x3FB3]  }
0x2b: {  	s6 =	sld [smem:$0x3FB4]  }
0x2c: {  	s7 =	sld [smem:$0x3FB5]  }
0x2d: {  	s3 =	simm.s32 $0x108;
	s8 =	sld [smem:$0x3FB6]  }
0x2e: {  	s3 =	simm.s32 @!p0 $0x1082;
	s9 =	sld [smem:$0x3FB7]  }
0x2f: {  	lr =	sadd.s32 s0, s3;
	s0 =	sld [smem:$0x3FAE]  }
0x30: {  	s3 =	sld [smem:$0x3FB1]  }
0x31: {  	[smem:$0x3FBA] =	sst s10  }
0x32: {  	s10 =	sld [smem:$0x3FB8];
	_ =	sdelay $0x3  }
0x33: {  	p0 =	seq.s32 s10, $0x1;
	s10 =	sld [smem:$0x3FBA];
	_ =	sdelay $0x3  }
0x34: {  	[smem:$0x3FBA] =	sst s10  }
0x35: {  	s10 =	sld [smem:$0x3FB9];
	_ =	sdelay $0x3  }
0x36: {  	p1 =	seq.s32 s10, $0x1;
	s10 =	sld [smem:$0x3FBA];
	_ =	sdelay $0x3  }
0x37: {  	[smem:$0x3FBA] =	sst s10  }
0x38: {  	s10 =	sld [smem:$0x3FBB]  }
0x39: {  	_ = 	snop;
	(pc) =	sbr.ind lr, $3  }
0x3a: {  	_ = 	snop  }
0x3b: {  	_ = 	snop  }
0x3c: {  	p2 =	seq.s32 s10, $0x1;
	s10 =	sld [smem:$0x3FBA]  }
0x3d: {  	_ =	shalt  }
0x3e: {  	_ =	shalt  }
0x3f: {  	_ =	shalt  }
0x40: {  	_ =	shalt  }
0x41: {  	_ =	shalt  }
0x42: {  	_ =	shalt  }
0x43: {  	_ =	shalt  }
0x44: {  	_ =	shalt  }
0x45: {  	_ =	shalt  }
0x46: {  	_ =	shalt  }
0x47: {  	_ =	shalt  }
0x48: {  	_ =	shalt  }
0x49: {  	_ =	shalt  }
0x4a: {  	_ =	shalt  }
0x4b: {  	_ =	shalt  }
0x4c: {  	_ =	shalt  }
0x4d: {  	_ =	shalt  }
0x4e: {  	_ =	shalt  }
0x4f: {  	_ =	shalt  }
0x50: {  	_ =	shalt  }
0x51: {  	_ =	shalt  }
0x52: {  	_ =	shalt  }
0x53: {  	_ =	shalt  }
0x54: {  	_ =	shalt  }
0x55: {  	_ =	shalt  }
0x56: {  	_ =	shalt  }
0x57: {  	_ =	shalt  }
0x58: {  	_ =	shalt  }
0x59: {  	_ =	shalt  }
0x5a: {  	_ =	shalt  }
0x5b: {  	_ =	shalt  }
0x5c: {  	_ =	shalt  }
0x5d: {  	_ =	shalt  }
0x5e: {  	_ =	shalt  }
0x5f: {  	_ =	shalt  }
0x60: {  	_ =	shalt  }
0x61: {  	_ =	shalt  }
0x62: {  	_ =	shalt  }
0x63: {  	_ =	shalt  }
0x64: {  	_ =	shalt  }
0x65: {  	_ =	shalt  }
0x66: {  	_ =	shalt  }
0x67: {  	_ =	shalt  }
0x68: {  	_ =	shalt  }
0x69: {  	_ =	shalt  }
0x6a: {  	_ =	shalt  }
0x6b: {  	_ =	shalt  }
0x6c: {  	_ =	shalt  }
0x6d: {  	_ =	shalt  }
0x6e: {  	_ =	shalt  }
0x6f: {  	_ =	shalt  }
0x70: {  	_ =	shalt  }
0x71: {  	_ =	shalt  }
0x72: {  	_ =	shalt  }
0x73: {  	_ =	shalt  }
0x74: {  	_ =	shalt  }
0x75: {  	_ =	shalt  }
0x76: {  	_ =	shalt  }
0x77: {  	_ =	shalt  }
0x78: {  	_ =	shalt  }
0x79: {  	_ =	shalt  }
0x7a: {  	_ =	shalt  }
0x7b: {  	_ =	shalt  }
0x7c: {  	_ =	shalt  }
0x7d: {  	_ =	shalt  }
0x7e: {  	_ =	shalt  }
0x7f: {  	_ =	shalt  }
0x80: {  	_ =	shalt  }
0x81: {  	_ =	shalt  }
0x82: {  	_ =	shalt  }
0x83: {  	_ =	shalt  }
0x84: {  	_ =	shalt  }
0x85: {  	_ =	shalt  }
0x86: {  	_ =	shalt  }
0x87: {  	_ =	shalt  }
.Lfunc_end0:
.L_simem_size_0:
called_computation_lowered:
.L_overlay_start_0:
0x88: {  	s2 =	sld [smem:$0x3FD9]  }
0x89: {  	s3 =	sld [smem:$0x3FFE];
	_ =	sdelay $0x1  }
0x8a: {  	s1 =	srdreg.scid  }
0x8b: {  	s0 =	sand.u32 $0x1, s1  }
0x8c: {  	s17 =	sshll.u32 s0, $0xA;
	s2 =	sadd.s32 s3, s2  }
0x8d: {  	s2 =	sadd.s32 s2, s17  }
0x8e: {  	[smem:$0x3FC6] =	sst s2  }
0x8f: {  	_ = 	snop  }
0x90: {  	s2 =	sld [smem:$0x3FC9];
	(tm) =	ssettm $0x1  }
0x91: {  	s18 =	sld [smem:$0x3FFB];
	_ =	sdelay $0x3  }
0x92: {  	_ =	strace s18  }
0x93: {  	s3 =	sld [smem:$0x3FFC];
	_ =	sdelay $0x3  }
0x94: {  	_ =	strace s3  }
0x95: {  	s3 =	sld [smem:$0x3FFD];
	_ =	sdelay $0x3  }
0x96: {  	_ =	strace s3  }
0x97: {  	_ =	strace $0x8FFFFFFF  }
0x98: {  	s19 =	sld [smem:$0x3FDB];
	_ =	sdelay $0x1  }
0x99: {  	s4 =	simm.s32 $_scs_section_size  }
0x9a: {  	s5 =	simm.s32 $_size__tile_overlayer_lowered;
	s6 =	simm.s32 $_tile_overlayer_lowered  }
0x9b: {  	s22 =	simm.s32 $0x1BFF;
	s21 =	sshll.u32 s6, $0x1;
	s3 =	sadd.s32 s4, s19  }
0x9c: {  	s7 =	simm.s32 $0x0;
	s20 =	sshll.u32 s5, $0x1;
	s5 =	sadd.s32 s21, s3  }
0x9d: {  	[timem:s7], [sflag:s22] =	dma.local [hbm:s5], s20  }
0x9e: {  	_ =	swait.ge [sflag:s22], s20  }
0x9f: {  	s4 =	ssub.s32 $0x0, s20;
	[sflag:s22] =	ssyncset.done $0x0  }
0xa0: {  	[sflag:s22] =	ssyncadd.s32 s4;
	_ =	sdelay $0x1  }
0xa1: {  	s23 =	simm.s32 $0x1B8B  }
0xa2: {  	_ =	swait.ge [sflag:s23], $0x1  }
0xa3: {  	[sflag:s23] =	ssyncset.done $0x0  }
0xa4: {  	s25 =	simm.s32 $0x1B8E;
	s24 =	sld [smem:$0x3FFE];
	[sflag:s23] =	ssyncadd.s32 $0xFFFFFFFF  }
0xa5: {  	s26 =	simm.s32 $execute0_lowered;
	[smem:$0x3FD2] =	sst s25  }
0xa6: {  	s5 =	sshll.u32 s26, $0x1;
	_ =	strace $0x80000046;
	[dreg:$0x1] =	wrdreg $0xFFFFFFFF  }
0xa7: {  	s28 =	simm.s32 $_size_execute0_lowered;
	s3 =	sadd.s32 s3, s5;
	[dreg:$0x0] =	wrdreg $0x0  }
0xa8: {  	s5 =	sshll.u32 s28, $0x1;
	[dreg:$0x2] =	wrdreg s3  }
0xa9: {  	[dreg:$0x3] =	wrdreg s5  }
0xaa: {  	[dreg:$0x4] =	wrdreg $0xC0  }
0xab: {  	_ =	task [dreg:s7], $0x5FFFF  }
0xac: {  	[dreg:$0x1] =	wrdreg $0xFFFFFFFF  }
0xad: {  	[dreg:$0x0] =	wrdreg $0x60  }
0xae: {  	[dreg:$0x2] =	wrdreg s2  }
0xaf: {  	[dreg:$0x3] =	wrdreg s24  }
0xb0: {  	[dreg:$0x4] =	wrdreg $0x43E00  }
0xb1: {  	[dreg:$0x5] =	wrdreg $0x9  }
0xb2: {  	_ =	task.clear_ibuf [dreg:s7], $0x6FFFF;
	_ =	strace $0x90000046  }
0xb3: {  	s29 =	simm.s32 $0x9;
	_ =	strace $0x80000048  }
0xb4: {  	_ =	swait.ge [sflag:s29], $0x1  }
0xb5: {  	[sflag:s29] =	ssyncadd.s32 $0xFFFFFFFF  }
0xb6: {  	_ =	strace $0x90000048  }
0xb7: {  	_ =	sfence  }
0xb8: {  	s30 =	sld [smem:$0x0];
	_ =	sdelay $0x2  }
0xb9: {  	s31 =	sshll.u32 s1, $0xD;
	s1 =	sshrl.u32 s1, $0x2  }
0xba: {  	s3 =	sand.u32 $0x4000, s31;
	s1 =	sadd.s32 s1, s30  }
0xbb: {  	s0 =	sor.u32 s3, s0;
	s1 =	sshll.u32 s1, $0x11  }
0xbc: {  	s0 =	sor.u32 s1, s0  }
0xbd: {  	s0 =	sadd.s32 $0x8F2B, s0  }
0xbe: {  	[sflag:s0] =	ssyncadd.remote.s32 $0x1  }
0xbf: {  	_ =	sfence.sel $0xFFFF  }
0xc0: {  	[dreg:$0x0] =	wrdreg $0xFFFFFFFF;
	(pc) =	sbr.abs _section_cstart, $3  }
0xc1: {  	[dreg:$0x1] =	wrdreg $0xFFFFFFFF  }
0xc2: {  	_ =	task.clear_ibuf [dreg:s7], $0x2FFFF;
	_ =	strace $0x9FFFFFFF  }
0xc3: {  	(tm) =	ssettm $0x7FFFFFFF  }
tec
execute0_lowered:
.L_overlay_start_1:
0x0: {  	(tag) =	ssettag $0x1  }
0x1: {  	s1 =	rddreg [dreg:$0x0]  }
0x2: {  	s0 =	rddreg [dreg:$0x1];
	s3 =	srdreg.scid  }
0x3: {  	s2 =	rddreg [dreg:$0x2];
	s8 =	stileid.u32;
	s10 =	simm.s32 $0x1  }
0x4: {  	s11 =	simm.s32 $0x190;
	s12 =	simm.s32 $0x80;
	s13 =	simm.s32 $0x2  }
0x5: {  	s14 =	simm.s32 $0x43A0;
	s5 =	sand.u32 $0x1, s3;
	s29 =	smul.u32 $0x1900, s8  }
0x6: {  	s3 =	simm.s32 $0x0;
	p0 =	sne.s32 s8, $0x0;
	s4 =	smul.u32 $0x30D40, s5  }
0x7: {  	[smem:$0x7FF] =	sst s3;
	s28 =	ssub.s32 $0x2, s5;
	s7 =	sshll.u32 s5, $0xE  }
0x8: {  	s5 =	smul.u32 $0xC350, s5;
	_ =	strace $0x80000047;
	s9 =	sshrl.u32 s28, $0x1  }
.Ltmp0:
0x9: {  	s30 =	sadd.s32 s1, s29;
	s6 =	sadd.s32 s4, s0;
	(pc) =	sbr.rel .LBB2_1-.Ltmp0, $4  }
0xa: {  	s9 =	ssub.s32 s28, s9;
	[dreg:$0x5] =	wrdreg s30;
	s6 =	sadd.s32 $0x186E00, s6  }
0xb: {  	s0 =	sadd.s32 s7, s0;
	s31 =	smax.u32 s9, $0x1;
	[dreg:$0x4] =	wrdreg s6  }
0xc: {  	vm0 =	vmmov $0xff;
	s7 =	sadd.s32 $0x400, s0;
	s0 =	sshrl.u32 @!p0 s2, $0x3;
	[dreg:$0x6] =	wrdreg s31  }
0xd: {  	vm1 =	vcmask $0x3F20;
	v1 =	vimm.s32 $0x0;
	s16 =	simm.s32 $0x0;
	s4 =	sshll.u32 s8, $0x8;
	v0 =	vmov s5;
	[dreg:$0x7] =	wrdreg s0  }
.LBB2_19:
0xe: {  	s5 =	simm.s32 $0x3  }
0xf: {  	_ =	swait.ge [sflag:s5], $0x40  }
0x10: {  	s16 =	sadd.s32 $0x1, s16;
	s0 =	rddreg [dreg:$0x6]  }
0x11: {  	p1 =	sne.s32 s16, s0  }
.Ltmp1:
0x12: {  	_ = 	snop;
	(pc) =	sbr.rel @!p1 .LBB2_20-.Ltmp1, $3  }
0x13: {  	_ =	sdelay $0x1  }
0x14: {  	[sflag:s5] =	ssyncset.done $0x0  }
0x15: {  	[sflag:s5] =	ssyncadd.s32 $0xFFFFFFC0  }
.LBB2_1:
0x16: {  	s5 =	rddreg [dreg:$0x4]  }
0x17: {  	s0 =	simm.s32 @!p0 $0x1C04;
	s6 =	rddreg [dreg:$0x7]  }
0x18: {  	[spmem:s6], [sflag:s0] =	dma.local @!p0 [hbm:s5], $0x30D40  }
0x19: {  	s0 =	simm.s32 @!p0 $0x4  }
0x1a: {  	_ =	swait.ge @!p0 [sflag:s0], $0x30D40  }
.Ltmp2:
0x1b: {  	[sflag:s0] =	ssyncset.done @!p0 $0x0;
	(pc) =	sbr.rel .LBB2_2-.Ltmp2, $4  }
0x1c: {  	[sflag:s0] =	ssyncadd.s32 @!p0 $0xFFFCF2C0  }
0x1d: {  	[bflag:$0x0] =	sbarrier.arrive $0xFFFF  }
0x1e: {  	s17 =	simm.s32 $0x0;
	s31 =	rddreg [dreg:$0x5]  }
0x1f: {  	[tilespmem:s3], [sflag:$0x1] =	stream.linear.gather [hbm4b:s31+s3], $0x190, $0x38;
	[tilespmem:$0x1CA80] =	vst v63  }
.LBB2_17:
0x20: {  	v3 =	vadd.f32 v4, v3  }
.LBB2_18:
0x21: {  	s17 =	sadd.s32 $0x1, s17  }
0x22: {  	p1 =	sne.s32 s17, $0x80  }
.Ltmp3:
0x23: {  	v2 =	vmul.f32 $4.999999890e-03, v2;
	(pc) =	sbr.rel @!p1 .LBB2_19-.Ltmp3, $4  }
0x24: {  	v3 =	vmul.f32 $4.999999890e-03, v3  }
0x25: {  	s0 =	sshll.u32 s0, $0x2;
	[tilespmem:$0x43C0] =	vst v2  }
0x26: {  	s0 =	sadd.s32 s0, s7;
	[tilespmem:$0x43D0] =	vst v3  }
0x27: {  	[hbm4b:s0+s3] =	stream.linear.scatter [tilespmem:s14], [sflag:$0x3], $0x40, $0x38;
	[tilespmem:$0x1CA80] =	vst v63  }
.LBB2_2:
0x28: {  	_ =	swait.ge [sflag:s10], $0x190  }
0x29: {  	[sflag:s10] =	ssyncset.done $0x0  }
0x2a: {  	[sflag:s10] =	ssyncadd.s32 $0xFFFFFE70  }
0x2b: {  	v2 =	vld [tilespmem:$0x0];
	_ =	sdelay $0x4  }
0x2c: {  	v2 =	vsub.s32 v2, v0  }
0x2d: {  	vm2 =	vlt.u32 v2, $0xC350  }
0x2e: {  	v3 =	vmpcnt.ones.xlane vm2;
	_ =	sdelay $0x1  }
0x2f: {  	(v2sf) =	vpush v3, $0x0;
	_ =	sdelay $0x7  }
0x30: {  	[tilespmem:s11+$0x0] =	vst.msk vm2, v2  }
0x31: {  	v2 =	vld [tilespmem:$0x10];
	_ =	sdelay $0x4  }
0x32: {  	v2 =	vsub.s32 v2, v0  }
0x33: {  	vm2 =	vlt.u32 v2, $0xC350;
	s0 =	spop (v2sf)  }
0x34: {  	[tilespmem:s0+$0x190] =	vst.msk vm2, v2;
	v2 =	vmpcnt.ones.xlane vm2  }
0x35: {  	v3 =	vld [tilespmem:$0x20]  }
0x36: {  	(v2sf) =	vpush v2, $0x0;
	_ =	sdelay $0x3  }
0x37: {  	v2 =	vsub.s32 v3, v0  }
0x38: {  	vm2 =	vlt.u32 v2, $0xC350  }
0x39: {  	v3 =	vmpcnt.ones.xlane vm2;
	_ =	sdelay $0x1  }
0x3a: {  	(v2sf) =	vpush v3, $0x0;
	_ =	sdelay $0x6  }
0x3b: {  	s5 =	spop (v2sf)  }
0x3c: {  	s18 =	sadd.s32 s0, s5  }
0x3d: {  	[tilespmem:s18+$0x190] =	vst.msk vm2, v2  }
0x3e: {  	v2 =	vld [tilespmem:$0x30];
	_ =	sdelay $0x4  }
0x3f: {  	s19 =	spop (v2sf);
	v2 =	vsub.s32 v2, v0  }
0x40: {  	s0 =	sadd.s32 s18, s19;
	vm2 =	vlt.u32 v2, $0xC350  }
0x41: {  	[tilespmem:s0+$0x190] =	vst.msk vm2, v2;
	v2 =	vmpcnt.ones.xlane vm2  }
0x42: {  	v3 =	vld [tilespmem:$0x40]  }
0x43: {  	(v2sf) =	vpush v2, $0x0;
	_ =	sdelay $0x3  }
0x44: {  	v2 =	vsub.s32 v3, v0  }
0x45: {  	vm2 =	vlt.u32 v2, $0xC350  }
0x46: {  	v3 =	vmpcnt.ones.xlane vm2;
	_ =	sdelay $0x1  }
0x47: {  	(v2sf) =	vpush v3, $0x0;
	_ =	sdelay $0x6  }
0x48: {  	s20 =	spop (v2sf)  }
0x49: {  	s0 =	sadd.s32 s0, s20  }
0x4a: {  	[tilespmem:s0+$0x190] =	vst.msk vm2, v2  }
0x4b: {  	v2 =	vld [tilespmem:$0x50];
	_ =	sdelay $0x4  }
0x4c: {  	s21 =	spop (v2sf);
	v2 =	vsub.s32 v2, v0  }
0x4d: {  	s0 =	sadd.s32 s0, s21;
	vm2 =	vlt.u32 v2, $0xC350  }
0x4e: {  	[tilespmem:s0+$0x190] =	vst.msk vm2, v2;
	v2 =	vmpcnt.ones.xlane vm2  }
0x4f: {  	v3 =	vld [tilespmem:$0x60]  }
0x50: {  	(v2sf) =	vpush v2, $0x0;
	_ =	sdelay $0x3  }
0x51: {  	v2 =	vsub.s32 v3, v0  }
0x52: {  	vm2 =	vlt.u32 v2, $0xC350  }
0x53: {  	v3 =	vmpcnt.ones.xlane vm2;
	_ =	sdelay $0x1  }
0x54: {  	(v2sf) =	vpush v3, $0x0;
	_ =	sdelay $0x6  }
0x55: {  	s22 =	spop (v2sf)  }
0x56: {  	s0 =	sadd.s32 s0, s22  }
0x57: {  	[tilespmem:s0+$0x190] =	vst.msk vm2, v2  }
0x58: {  	v2 =	vld [tilespmem:$0x70];
	_ =	sdelay $0x4  }
0x59: {  	s23 =	spop (v2sf);
	v2 =	vsub.s32 v2, v0  }
0x5a: {  	s0 =	sadd.s32 s0, s23;
	vm2 =	vlt.u32 v2, $0xC350  }
0x5b: {  	[tilespmem:s0+$0x190] =	vst.msk vm2, v2;
	v2 =	vmpcnt.ones.xlane vm2  }
0x5c: {  	v3 =	vld [tilespmem:$0x80]  }
0x5d: {  	(v2sf) =	vpush v2, $0x0;
	_ =	sdelay $0x3  }
0x5e: {  	v2 =	vsub.s32 v3, v0  }
0x5f: {  	vm2 =	vlt.u32 v2, $0xC350  }
0x60: {  	v3 =	vmpcnt.ones.xlane vm2;
	_ =	sdelay $0x1  }
0x61: {  	(v2sf) =	vpush v3, $0x0;
	_ =	sdelay $0x6  }
0x62: {  	s24 =	spop (v2sf)  }
0x63: {  	s0 =	sadd.s32 s0, s24  }
0x64: {  	[tilespmem:s0+$0x190] =	vst.msk vm2, v2  }
0x65: {  	v2 =	vld [tilespmem:$0x90];
	_ =	sdelay $0x4  }
0x66: {  	s25 =	spop (v2sf);
	v2 =	vsub.s32 v2, v0  }
0x67: {  	s0 =	sadd.s32 s0, s25;
	vm2 =	vlt.u32 v2, $0xC350  }
0x68: {  	[tilespmem:s0+$0x190] =	vst.msk vm2, v2;
	v2 =	vmpcnt.ones.xlane vm2  }
0x69: {  	v3 =	vld [tilespmem:$0xA0]  }
0x6a: {  	(v2sf) =	vpush v2, $0x0;
	_ =	sdelay $0x3  }
0x6b: {  	v2 =	vsub.s32 v3, v0  }
0x6c: {  	vm2 =	vlt.u32 v2, $0xC350  }
0x6d: {  	v3 =	vmpcnt.ones.xlane vm2;
	_ =	sdelay $0x1  }
0x6e: {  	(v2sf) =	vpush v3, $0x0;
	_ =	sdelay $0x6  }
0x6f: {  	s26 =	spop (v2sf)  }
0x70: {  	s0 =	sadd.s32 s0, s26  }
0x71: {  	[tilespmem:s0+$0x190] =	vst.msk vm2, v2  }
0x72: {  	v2 =	vld [tilespmem:$0xB0];
	_ =	sdelay $0x4  }
0x73: {  	s28 =	spop (v2sf);
	v2 =	vsub.s32 v2, v0  }
0x74: {  	s0 =	sadd.s32 s0, s28;
	vm2 =	vlt.u32 v2, $0xC350  }
0x75: {  	[tilespmem:s0+$0x190] =	vst.msk vm2, v2  }
0x76: {  	v2 =	vld [tilespmem:$0xC0];
	_ =	sdelay $0x4  }
0x77: {  	v2 =	vsub.s32 v2, v0  }
0x78: {  	vm3 =	vlt.u32 v2, $0xC350  }
0x79: {  	v3 =	vmpcnt.ones.xlane vm2;
	vm2 =	vmand vm3, vm0  }
0x7a: {  	v4 =	vmpcnt.ones.xlane vm2  }
0x7b: {  	(v2sf) =	vpush v3, $0x0  }
0x7c: {  	(v2sf) =	vpush v4, $0x0;
	_ =	sdelay $0x4  }
0x7d: {  	vm3 =	vmand vm3, vm1  }
0x7e: {  	v3 =	vmpcnt.ones.xlane vm3;
	_ =	sdelay $0x1  }
0x7f: {  	(v2sf) =	vpush v3, $0x0;
	_ =	sdelay $0x5  }
0x80: {  	s29 =	spop (v2sf)  }
0x81: {  	s0 =	sadd.s32 s0, s29;
	s30 =	spop (v2sf)  }
0x82: {  	[tilespmem:s0+$0x190] =	vst.msk vm2, v2;
	s31 =	sadd.s32 s0, s30  }
0x83: {  	[tilespmem:s31+$0x190] =	vst.msk vm3, v2  }
0x84: {  	v2 =	vld [tilespmem:$0xD0];
	_ =	sdelay $0x4  }
0x85: {  	s5 =	spop (v2sf);
	v2 =	vsub.s32 v2, v0  }
0x86: {  	s0 =	sadd.s32 s31, s5;
	vm2 =	vlt.u32 v2, $0xC350  }
0x87: {  	[tilespmem:s0+$0x190] =	vst.msk vm2, v2;
	v2 =	vmpcnt.ones.xlane vm2  }
0x88: {  	v3 =	vld [tilespmem:$0xE0]  }
0x89: {  	(v2sf) =	vpush v2, $0x0;
	_ =	sdelay $0x3  }
0x8a: {  	v2 =	vsub.s32 v3, v0  }
0x8b: {  	vm2 =	vlt.u32 v2, $0xC350  }
0x8c: {  	v3 =	vmpcnt.ones.xlane vm2;
	_ =	sdelay $0x1  }
0x8d: {  	(v2sf) =	vpush v3, $0x0;
	_ =	sdelay $0x6  }
0x8e: {  	s6 =	spop (v2sf)  }
0x8f: {  	s0 =	sadd.s32 s0, s6  }
0x90: {  	[tilespmem:s0+$0x190] =	vst.msk vm2, v2  }
0x91: {  	v2 =	vld [tilespmem:$0xF0];
	_ =	sdelay $0x4  }
0x92: {  	s8 =	spop (v2sf);
	v2 =	vsub.s32 v2, v0  }
0x93: {  	s0 =	sadd.s32 s0, s8;
	vm2 =	vlt.u32 v2, $0xC350  }
0x94: {  	[tilespmem:s0+$0x190] =	vst.msk vm2, v2;
	v2 =	vmpcnt.ones.xlane vm2  }
0x95: {  	v3 =	vld [tilespmem:$0x100]  }
0x96: {  	(v2sf) =	vpush v2, $0x0;
	_ =	sdelay $0x3  }
0x97: {  	v2 =	vsub.s32 v3, v0  }
0x98: {  	vm2 =	vlt.u32 v2, $0xC350  }
0x99: {  	v3 =	vmpcnt.ones.xlane vm2;
	_ =	sdelay $0x1  }
0x9a: {  	(v2sf) =	vpush v3, $0x0;
	_ =	sdelay $0x6  }
0x9b: {  	s9 =	spop (v2sf)  }
0x9c: {  	s0 =	sadd.s32 s0, s9  }
0x9d: {  	[tilespmem:s0+$0x190] =	vst.msk vm2, v2  }
0x9e: {  	v2 =	vld [tilespmem:$0x110];
	_ =	sdelay $0x4  }
0x9f: {  	s15 =	spop (v2sf);
	v2 =	vsub.s32 v2, v0  }
0xa0: {  	s0 =	sadd.s32 s0, s15;
	vm2 =	vlt.u32 v2, $0xC350  }
0xa1: {  	[tilespmem:s0+$0x190] =	vst.msk vm2, v2;
	v2 =	vmpcnt.ones.xlane vm2  }
0xa2: {  	v3 =	vld [tilespmem:$0x120]  }
0xa3: {  	(v2sf) =	vpush v2, $0x0;
	_ =	sdelay $0x3  }
0xa4: {  	v2 =	vsub.s32 v3, v0  }
0xa5: {  	vm2 =	vlt.u32 v2, $0xC350  }
0xa6: {  	v3 =	vmpcnt.ones.xlane vm2;
	_ =	sdelay $0x1  }
0xa7: {  	(v2sf) =	vpush v3, $0x0;
	_ =	sdelay $0x6  }
0xa8: {  	s6 =	spop (v2sf)  }
0xa9: {  	s0 =	sadd.s32 s0, s6  }
0xaa: {  	[tilespmem:s0+$0x190] =	vst.msk vm2, v2  }
0xab: {  	v2 =	vld [tilespmem:$0x130];
	_ =	sdelay $0x4  }
0xac: {  	s8 =	spop (v2sf);
	v2 =	vsub.s32 v2, v0  }
0xad: {  	s0 =	sadd.s32 s0, s8;
	vm2 =	vlt.u32 v2, $0xC350  }
0xae: {  	[tilespmem:s0+$0x190] =	vst.msk vm2, v2;
	v2 =	vmpcnt.ones.xlane vm2  }
0xaf: {  	v3 =	vld [tilespmem:$0x140]  }
0xb0: {  	(v2sf) =	vpush v2, $0x0;
	_ =	sdelay $0x3  }
0xb1: {  	v2 =	vsub.s32 v3, v0  }
0xb2: {  	vm2 =	vlt.u32 v2, $0xC350  }
0xb3: {  	v3 =	vmpcnt.ones.xlane vm2;
	_ =	sdelay $0x1  }
0xb4: {  	(v2sf) =	vpush v3, $0x0;
	_ =	sdelay $0x6  }
0xb5: {  	s9 =	spop (v2sf)  }
0xb6: {  	s0 =	sadd.s32 s0, s9  }
0xb7: {  	[tilespmem:s0+$0x190] =	vst.msk vm2, v2  }
0xb8: {  	v2 =	vld [tilespmem:$0x150];
	_ =	sdelay $0x4  }
0xb9: {  	s15 =	spop (v2sf);
	v2 =	vsub.s32 v2, v0  }
0xba: {  	s0 =	sadd.s32 s0, s15;
	vm2 =	vlt.u32 v2, $0xC350  }
0xbb: {  	[tilespmem:s0+$0x190] =	vst.msk vm2, v2;
	v2 =	vmpcnt.ones.xlane vm2  }
0xbc: {  	v3 =	vld [tilespmem:$0x160]  }
0xbd: {  	(v2sf) =	vpush v2, $0x0;
	_ =	sdelay $0x3  }
0xbe: {  	v2 =	vsub.s32 v3, v0  }
0xbf: {  	vm2 =	vlt.u32 v2, $0xC350  }
0xc0: {  	v3 =	vmpcnt.ones.xlane vm2;
	_ =	sdelay $0x1  }
0xc1: {  	(v2sf) =	vpush v3, $0x0;
	_ =	sdelay $0x6  }
0xc2: {  	s6 =	spop (v2sf)  }
0xc3: {  	s0 =	sadd.s32 s0, s6  }
0xc4: {  	[tilespmem:s0+$0x190] =	vst.msk vm2, v2  }
0xc5: {  	v2 =	vld [tilespmem:$0x170];
	_ =	sdelay $0x4  }
0xc6: {  	s8 =	spop (v2sf);
	v2 =	vsub.s32 v2, v0  }
0xc7: {  	s5 =	sadd.s32 s0, s8;
	vm2 =	vlt.u32 v2, $0xC350  }
0xc8: {  	[tilespmem:s5+$0x190] =	vst.msk vm2, v2  }
0xc9: {  	v2 =	vld [tilespmem:$0x180];
	_ =	sdelay $0x2  }
0xca: {  	v3 =	vmpcnt.ones.xlane vm2;
	_ =	sdelay $0x1  }
0xcb: {  	(v2sf) =	vpush v3, $0x0;
	v2 =	vsub.s32 v2, v0  }
0xcc: {  	vm2 =	vlt.u32 v2, $0xC350  }
0xcd: {  	v63 =	vmpcnt.ones.xlane vm2;
	_ =	sdelay $0x1  }
0xce: {  	(v2sf) =	vpush v63, $0x0;
	_ =	sdelay $0x6  }
0xcf: {  	s9 =	sshll.u32 s17, $0x1  }
0xd0: {  	p1 =	seq.s32 s17, $0x7F;
	s0 =	sadd.s32 s4, s9  }
0xd1: {  	s6 =	smul.u32 @!p1 $0xC8, s0;
	_ =	sdelay $0x1  }
0xd2: {  	s6 =	sshrl.u32 @!p1 s6, $0x3;
	s8 =	spop (v2sf)  }
0xd3: {  	s6 =	sadd.s32 @!p1 s1, s6;
	s5 =	sadd.s32 s5, s8  }
0xd4: {  	s6 =	sadd.s32 @!p1 $0x32, s6;
	s8 =	simm.s32 @!p1 $0x0;
	[tilespmem:s5+$0x190] =	vst.msk vm2, v2  }
0xd5: {  	[tilespmem:s8], [sflag:$0x1] =	stream.linear.gather @!p1 [hbm4b:s6+s8], $0x190, $0x38;
	[tilespmem:$0x1CA80] =	vst v63  }
0xd6: {  	s15 =	spop (v2sf)  }
0xd7: {  	s5 =	sadd.s32 s5, s15  }
0xd8: {  	s6 =	sadd.s32 $0x7F, s5  }
0xd9: {  	s9 =	sand.u32 $0x7F, s6  }
0xda: {  	s15 =	sshra.s32 s6, $0x1F;
	p2 =	slt.s32 s6, $0x1;
	p6 =	sne.s32 s9, $0x0  }
0xdb: {  	s8 =	sshrl.u32 s15, $0x19;
	p1 =	por !p2, !p6  }
0xdc: {  	s6 =	sadd.s32 s8, s6;
	s8 =	simm.s32 $0x1;
	p1 =	por !p1, !p1  }
0xdd: {  	[tilespmem:s5+$0x190] =	vst v1;
	s6 =	sshra.s32 s6, $0x7;
	s8 =	simm.s32 @!p1 $0x0  }
0xde: {  	[tilespmem:s5+$0x1A0] =	vst v1;
	s9 =	ssub.s32 s6, s8  }
0xdf: {  	[tilespmem:s5+$0x1B0] =	vst v1;
	p1 =	slt.s32 s9, $0x1  }
.Ltmp4:
0xe0: {  	[tilespmem:s5+$0x1C0] =	vst v1;
	(pc) =	sbr.rel @p1 .LBB2_6-.Ltmp4, $4  }
0xe1: {  	[tilespmem:s5+$0x1D0] =	vst v1  }
0xe2: {  	[tilespmem:s5+$0x1E0] =	vst v1  }
0xe3: {  	[tilespmem:s5+$0x1F0] =	vst v1  }
0xe4: {  	[tilespmem:s5+$0x200] =	vst v1  }
0xe5: {  	p1 =	sne.s32 s9, $0x1  }
.Ltmp5:
0xe6: {  	_ = 	snop;
	(pc) =	sbr.rel @!p1 .LBB2_5-.Ltmp5, $4  }
0xe7: {  	s6 =	simm.s32 $0x190;
	s8 =	simm.s32 $0x3A0  }
0xe8: {  	[tilespmem:s8], [sflag:$0x2] =	stream.indirect.gather [spmem:s2], $0x20, s6, s12, $0xb8;
	[tilespmem:$0x1CA80] =	vst v63  }
0xe9: {  	_ =	swait.ge [sflag:s13], $0x1000  }
0xea: {  	s9 =	sadd.s32 $0xFFFFFFFF, s9;
	[sflag:s13] =	ssyncset.done $0x0  }
.LBB2_4:
0xeb: {  	[sflag:s13] =	ssyncadd.s32 $0xFFFFF000  }
0xec: {  	s6 =	sadd.s32 $0x80, s6;
	s8 =	sadd.s32 $0x1000, s8;
	p1 =	sne.s32 s9, $0x1  }
.Ltmp6:
0xed: {  	s9 =	sadd.s32 $0xFFFFFFFF, s9;
	(pc) =	sbr.rel @p1 .LBB2_4-.Ltmp6, $4  }
0xee: {  	_ = 	snop  }
0xef: {  	[tilespmem:s8], [sflag:$0x2] =	stream.indirect.gather [spmem:s2], $0x20, s6, s12, $0xb8;
	[tilespmem:$0x1CA80] =	vst v63  }
0xf0: {  	_ =	swait.ge [sflag:s13], $0x1000  }
0xf1: {  	[sflag:s13] =	ssyncset.done $0x0  }
.LBB2_5:
0xf2: {  	[sflag:s13] =	ssyncadd.s32 $0xFFFFF000  }
.LBB2_6:
0xf3: {  	s6 =	sand.u32 $0x3, s31  }
0xf4: {  	s8 =	sshra.s32 s31, $0x1F;
	p1 =	slt.s32 s31, $0x1;
	p2 =	sne.s32 s6, $0x0  }
0xf5: {  	s15 =	sshrl.u32 s8, $0x1E;
	p1 =	por !p1, !p2  }
0xf6: {  	s8 =	simm.s32 $0x1;
	s6 =	sadd.s32 s15, s31;
	p1 =	por !p1, !p1  }
0xf7: {  	s6 =	sshra.s32 s6, $0x2;
	s8 =	simm.s32 @!p1 $0x0  }
0xf8: {  	s6 =	ssub.s32 s6, s8  }
0xf9: {  	p1 =	sgt.s32 s6, $0x0  }
.Ltmp7:
0xfa: {  	p2 =	seq.s32 s17, $0x0;
	(pc) =	sbr.rel @!p1 .LBB2_7-.Ltmp7, $4  }
0xfb: {  	s9 =	simm.s32 @!p2 $0x3  }
0xfc: {  	_ =	swait.ge @!p2 [sflag:s9], $0x40  }
0xfd: {  	[sflag:s9] =	ssyncset.done @!p2 $0x0  }
0xfe: {  	v2 =	vimm.f32 $0.0e+00;
	s8 =	simm.s32 $0x3E0;
	[sflag:s9] =	ssyncadd.s32 @!p2 $0xFFFFFFC0  }
0xff: {  	p2 =	seq.s32 s6, $0x1  }
.Ltmp8:
0x100: {  	_ = 	snop;
	(pc) =	sbr.rel @p2 .LBB2_22-.Ltmp8, $3  }
0x101: {  	_ =	sdelay $0x1  }
0x102: {  	v3 =	vld [tilespmem:s8+$0xFFFFFFC0]  }
0x103: {  	v4 =	vld [tilespmem:s8+$0xFFFFFFD0];
	s9 =	sadd.s32 $0xFFFFFFFF, s6;
	p1 =	por $0x0, $0x0  }
0x104: {  	v9 =	vld [tilespmem:s8+$0xFFFFFFE0]  }
0x105: {  	v10 =	vld [tilespmem:s8+$0xFFFFFFF0]  }
0x106: {  	v5 =	vld [tilespmem:s8+$0x0];
	p2 =	seq.s32 s9, $0x1  }
.Ltmp9:
0x107: {  	v7 =	vld [tilespmem:s8+$0x10];
	(pc) =	sbr.rel @p2 .LBB2_25-.Ltmp9, $4  }
0x108: {  	v6 =	vld [tilespmem:s8+$0x20];
	v11 =	vadd.f32 v3, v2;
	v4 =	vadd.f32 v4, v2  }
0x109: {  	v8 =	vld [tilespmem:s8+$0x30];
	s8 =	sadd.s32 $0x80, s8  }
0x10a: {  	v3 =	vld [tilespmem:s8+$0xFFFFFFC0];
	v9 =	vadd.f32 v9, v11;
	v10 =	vadd.f32 v10, v4  }
0x10b: {  	s9 =	sadd.s32 $0xFFFFFFFF, s9;
	p1 =	por $0x1, $0x1;
	v4 =	vld [tilespmem:s8+$0xFFFFFFD0]  }
.LBB2_24:
0x10c: {  	p2 =	seq.s32 s9, $0x1;
	v11 =	vld [tilespmem:s8+$0xFFFFFFE0];
	v9 =	vadd.f32 v5, v9;
	v7 =	vadd.f32 v7, v10  }
0x10d: {  	v10 =	vld [tilespmem:s8+$0xFFFFFFF0]  }
0x10e: {  	v5 =	vld [tilespmem:s8+$0x0];
	v6 =	vadd.f32 v6, v9;
	v8 =	vadd.f32 v8, v7  }
.Ltmp10:
0x10f: {  	v7 =	vld [tilespmem:s8+$0x10];
	(pc) =	sbr.rel @!p2 .LBB2_24-.Ltmp10, $4  }
0x110: {  	v9 =	vadd.f32 v3, v6;
	v6 =	vld [tilespmem:s8+$0x20];
	v4 =	vadd.f32 v4, v8  }
0x111: {  	v8 =	vld [tilespmem:s8+$0x30];
	s8 =	sadd.s32 $0x80, s8  }
0x112: {  	v3 =	vld [tilespmem:s8+$0xFFFFFFC0];
	v9 =	vadd.f32 v11, v9;
	v10 =	vadd.f32 v10, v4  }
0x113: {  	s9 =	sadd.s32 $0xFFFFFFFF, s9;
	v4 =	vld [tilespmem:s8+$0xFFFFFFD0]  }
.LBB2_25:
0x114: {  	v5 =	vadd.f32 @p1 v5, v9;
	v7 =	vadd.f32 @p1 v7, v10  }
0x115: {  	v59 =	vld [tilespmem:s8+$0xFFFFFFE0]  }
0x116: {  	v60 =	vld [tilespmem:s8+$0xFFFFFFF0];
	v5 =	vadd.f32 @p1 v6, v5;
	v6 =	vadd.f32 @p1 v8, v7  }
0x117: {  	v61 =	vld [tilespmem:s8+$0x0]  }
0x118: {  	v62 =	vld [tilespmem:s8+$0x10];
	v5 =	vpsel p1, v5, v2;
	v2 =	vpsel p1, v6, v2  }
0x119: {  	v3 =	vadd.f32 v3, v5;
	v5 =	vld [tilespmem:s8+$0x20];
	v2 =	vadd.f32 v4, v2  }
0x11a: {  	v4 =	vld [tilespmem:s8+$0x30]  }
.Ltmp11:
0x11b: {  	v3 =	vadd.f32 v59, v3;
	v2 =	vadd.f32 v60, v2;
	(pc) =	sbr.rel .LBB2_8-.Ltmp11, $3  }
0x11c: {  	_ = 	snop  }
0x11d: {  	v3 =	vadd.f32 v61, v3;
	v63 =	vadd.f32 v62, v2;
	_ =	sdelay $0x1  }
0x11e: {  	v2 =	vadd.f32 v5, v3;
	v3 =	vadd.f32 v4, v63  }
.LBB2_7:
0x11f: {  	v3 =	vimm.f32 $0.0e+00  }
.LBB2_8:
0x120: {  	s8 =	sshll.u32 s6, $0x2  }
0x121: {  	p1 =	sge.s32 s8, s31  }
.Ltmp12:
0x122: {  	_ = 	snop;
	(pc) =	sbr.rel @p1 .LBB2_12-.Ltmp12, $1  }
0x123: {  	_ =	sdelay $0x3  }
0x124: {  	s6 =	sshll.u32 s6, $0x9  }
0x125: {  	s6 =	sshra.s32 s6, $0x2  }
0x126: {  	s9 =	sadd.s32 $0x3B0, s6;
	s6 =	sadd.s32 $0x1, s8  }
0x127: {  	v5 =	vld [tilespmem:s9+$0xFFFFFFF0];
	p1 =	slt.s32 s6, s31  }
.Ltmp13:
0x128: {  	_ = 	snop;
	(pc) =	sbr.rel @!p1 .LBB2_11-.Ltmp13, $2  }
0x129: {  	v4 =	vld [tilespmem:s9+$0x0];
	_ =	sdelay $0x2  }
0x12a: {  	s8 =	sadd.s32 $0x20, s9;
	v2 =	vadd.f32 v5, v2  }
.LBB2_10:
0x12b: {  	s6 =	sadd.s32 $0x1, s6  }
0x12c: {  	v5 =	vld [tilespmem:s8+$0xFFFFFFF0];
	v3 =	vadd.f32 v4, v3;
	p1 =	slt.s32 s6, s31  }
.Ltmp14:
0x12d: {  	v4 =	vld [tilespmem:s8+$0x0];
	(pc) =	sbr.rel @p1 .LBB2_10-.Ltmp14, $2  }
0x12e: {  	_ =	sdelay $0x2  }
0x12f: {  	s8 =	sadd.s32 $0x20, s8;
	v2 =	vadd.f32 v5, v2  }
.LBB2_11:
0x130: {  	_ = 	snop  }
0x131: {  	v3 =	vadd.f32 v4, v3  }
.LBB2_12:
0x132: {  	s6 =	ssub.s32 s5, s31;
	p1 =	sne.s32 s5, s31;
	s8 =	simm.s32 $0x1  }
0x133: {  	s9 =	sshra.s32 s6, $0x1F;
	s8 =	simm.s32 @!p1 $0x0  }
0x134: {  	s15 =	sand.u32 $0x3, s6;
	s8 =	sor.u32 s8, s9  }
0x135: {  	p2 =	sne.s32 s15, $0x0;
	p6 =	sne.s32 s8, $0x1  }
0x136: {  	s15 =	sshrl.u32 s9, $0x1E;
	p1 =	por !p2, !p6  }
0x137: {  	s6 =	sadd.s32 s15, s6;
	s8 =	simm.s32 $0x1;
	p1 =	por !p1, !p1  }
0x138: {  	s6 =	sshra.s32 s6, $0x2;
	s8 =	simm.s32 @!p1 $0x0  }
0x139: {  	s6 =	ssub.s32 s6, s8  }
0x13a: {  	p1 =	slt.s32 s6, $0x1  }
.Ltmp15:
0x13b: {  	_ = 	snop;
	(pc) =	sbr.rel @p1 .LBB2_13-.Ltmp15, $4  }
0x13c: {  	v2 =	vmul.f32 $4.999999890e-03, v2  }
0x13d: {  	v3 =	vmul.f32 $4.999999890e-03, v3  }
0x13e: {  	[tilespmem:$0x43A0] =	vst v2  }
0x13f: {  	[tilespmem:$0x43B0] =	vst v3  }
0x140: {  	p2 =	seq.s32 s6, $0x1  }
.Ltmp16:
0x141: {  	s8 =	sshll.u32 s31, $0x7;
	(pc) =	sbr.rel @p2 .LBB2_27-.Ltmp16, $4  }
0x142: {  	s8 =	sshra.s32 s8, $0x2  }
0x143: {  	s8 =	sadd.s32 $0x3E0, s8  }
0x144: {  	v3 =	vld [tilespmem:s8+$0xFFFFFFC0]  }
0x145: {  	v2 =	vimm.f32 $0.0e+00;
	s9 =	sadd.s32 $0xFFFFFFFF, s6;
	p1 =	por $0x0, $0x0;
	v4 =	vld [tilespmem:s8+$0xFFFFFFD0]  }
0x146: {  	v9 =	vld [tilespmem:s8+$0xFFFFFFE0]  }
0x147: {  	v10 =	vld [tilespmem:s8+$0xFFFFFFF0]  }
0x148: {  	v5 =	vld [tilespmem:s8+$0x0];
	p2 =	seq.s32 s9, $0x1  }
.Ltmp17:
0x149: {  	v7 =	vld [tilespmem:s8+$0x10];
	(pc) =	sbr.rel @p2 .LBB2_30-.Ltmp17, $4  }
0x14a: {  	v6 =	vld [tilespmem:s8+$0x20];
	v11 =	vadd.f32 v3, v2;
	v4 =	vadd.f32 v4, v2  }
0x14b: {  	v8 =	vld [tilespmem:s8+$0x30];
	s8 =	sadd.s32 $0x80, s8  }
0x14c: {  	v3 =	vld [tilespmem:s8+$0xFFFFFFC0];
	v9 =	vadd.f32 v9, v11;
	v10 =	vadd.f32 v10, v4  }
0x14d: {  	s9 =	sadd.s32 $0xFFFFFFFF, s9;
	p1 =	por $0x1, $0x1;
	v4 =	vld [tilespmem:s8+$0xFFFFFFD0]  }
.LBB2_29:
0x14e: {  	p2 =	seq.s32 s9, $0x1;
	v11 =	vld [tilespmem:s8+$0xFFFFFFE0];
	v9 =	vadd.f32 v5, v9;
	v7 =	vadd.f32 v7, v10  }
0x14f: {  	v10 =	vld [tilespmem:s8+$0xFFFFFFF0]  }
0x150: {  	v5 =	vld [tilespmem:s8+$0x0];
	v6 =	vadd.f32 v6, v9;
	v8 =	vadd.f32 v8, v7  }
.Ltmp18:
0x151: {  	v7 =	vld [tilespmem:s8+$0x10];
	(pc) =	sbr.rel @!p2 .LBB2_29-.Ltmp18, $4  }
0x152: {  	v9 =	vadd.f32 v3, v6;
	v6 =	vld [tilespmem:s8+$0x20];
	v4 =	vadd.f32 v4, v8  }
0x153: {  	v8 =	vld [tilespmem:s8+$0x30];
	s8 =	sadd.s32 $0x80, s8  }
0x154: {  	v3 =	vld [tilespmem:s8+$0xFFFFFFC0];
	v9 =	vadd.f32 v11, v9;
	v10 =	vadd.f32 v10, v4  }
0x155: {  	s9 =	sadd.s32 $0xFFFFFFFF, s9;
	v4 =	vld [tilespmem:s8+$0xFFFFFFD0]  }
.LBB2_30:
0x156: {  	v5 =	vadd.f32 @p1 v5, v9;
	v7 =	vadd.f32 @p1 v7, v10  }
0x157: {  	v59 =	vld [tilespmem:s8+$0xFFFFFFE0]  }
0x158: {  	v60 =	vld [tilespmem:s8+$0xFFFFFFF0];
	v5 =	vadd.f32 @p1 v6, v5;
	v6 =	vadd.f32 @p1 v8, v7  }
0x159: {  	v61 =	vld [tilespmem:s8+$0x0]  }
0x15a: {  	v62 =	vld [tilespmem:s8+$0x10];
	v5 =	vpsel p1, v5, v2;
	v2 =	vpsel p1, v6, v2  }
0x15b: {  	v3 =	vadd.f32 v3, v5;
	v5 =	vld [tilespmem:s8+$0x20];
	v2 =	vadd.f32 v4, v2  }
0x15c: {  	v4 =	vld [tilespmem:s8+$0x30]  }
.Ltmp19:
0x15d: {  	v3 =	vadd.f32 v59, v3;
	v2 =	vadd.f32 v60, v2;
	(pc) =	sbr.rel .LBB2_14-.Ltmp19, $3  }
0x15e: {  	_ = 	snop  }
0x15f: {  	v3 =	vadd.f32 v61, v3;
	v63 =	vadd.f32 v62, v2;
	_ =	sdelay $0x1  }
0x160: {  	v2 =	vadd.f32 v5, v3;
	v3 =	vadd.f32 v4, v63  }
.LBB2_13:
0x161: {  	v2 =	vimm.f32 $0.0e+00;
	v3 =	vimm.f32 $0.0e+00  }
.LBB2_14:
0x162: {  	s8 =	sshll.u32 s6, $0x2  }
0x163: {  	s6 =	sadd.s32 s31, s8  }
0x164: {  	p1 =	sge.s32 s6, s5  }
.Ltmp20:
0x165: {  	_ = 	snop;
	(pc) =	sbr.rel @p1 .LBB2_18-.Ltmp20, $1  }
0x166: {  	_ =	sdelay $0x3  }
0x167: {  	s9 =	sadd.s32 s19, s18  }
0x168: {  	s9 =	sadd.s32 s20, s9  }
0x169: {  	s9 =	sadd.s32 s21, s9  }
0x16a: {  	s9 =	sadd.s32 s22, s9  }
0x16b: {  	s9 =	sadd.s32 s23, s9  }
0x16c: {  	s9 =	sadd.s32 s24, s9  }
0x16d: {  	s9 =	sadd.s32 s25, s9  }
0x16e: {  	s9 =	sadd.s32 s26, s9  }
0x16f: {  	s9 =	sadd.s32 s28, s9  }
0x170: {  	s9 =	sadd.s32 s29, s9  }
0x171: {  	s9 =	sadd.s32 s30, s9  }
0x172: {  	s8 =	sadd.s32 s8, s9  }
0x173: {  	s8 =	sshll.u32 s8, $0x7  }
0x174: {  	s8 =	sshra.s32 s8, $0x2  }
0x175: {  	s6 =	sadd.s32 $0x1, s6;
	s8 =	sadd.s32 $0x3B0, s8  }
0x176: {  	p1 =	slt.s32 s6, s5;
	v5 =	vld [tilespmem:s8+$0xFFFFFFF0]  }
.Ltmp21:
0x177: {  	v4 =	vld [tilespmem:s8+$0x0];
	(pc) =	sbr.rel @!p1 .LBB2_17-.Ltmp21, $2  }
0x178: {  	_ =	sdelay $0x2  }
0x179: {  	s8 =	sadd.s32 $0x20, s8;
	v2 =	vadd.f32 v5, v2  }
.LBB2_16:
0x17a: {  	s6 =	sadd.s32 $0x1, s6  }
0x17b: {  	v5 =	vld [tilespmem:s8+$0xFFFFFFF0];
	v3 =	vadd.f32 v4, v3;
	p1 =	slt.s32 s6, s5  }
.Ltmp22:
0x17c: {  	v4 =	vld [tilespmem:s8+$0x0];
	(pc) =	sbr.rel @p1 .LBB2_16-.Ltmp22, $2  }
0x17d: {  	_ =	sdelay $0x2  }
0x17e: {  	s8 =	sadd.s32 $0x20, s8;
	v2 =	vadd.f32 v5, v2  }
.Ltmp23:
0x17f: {  	_ = 	snop;
	(pc) =	sbr.rel .LBB2_17-.Ltmp23, $1  }
0x180: {  	_ =	sdelay $0x3  }
.LBB2_22:
.Ltmp24:
0x181: {  	(pc) =	sbr.rel .LBB2_25-.Ltmp24, $2  }
0x182: {  	_ =	sdelay $0x2  }
0x183: {  	_ = 	snop  }
.LBB2_27:
.Ltmp25:
0x184: {  	(pc) =	sbr.rel .LBB2_30-.Ltmp25, $2  }
0x185: {  	_ =	sdelay $0x2  }
0x186: {  	_ = 	snop  }
.LBB2_20:
0x187: {  	_ =	sfence.sel $0x180000  }
0x188: {  	[bflag:$0x0] =	sbarrier.arrive $0xFFFF  }
0x189: {  	_ =	strace $0x90000047  }
0x18a: {  	[bflag:$0x2] =	sbarrier.arrive $0xFFFF  }
0x18b: {  	s0 =	rddreg [dreg:$0x3]  }
0x18c: {  	s0 =	sadd.s32 @!p0 $0x100000, s0  }
0x18d: {  	[sflag:s0] =	ssyncadd.tile.s32 @!p0 $0x1;
	_ =	shalt  }
.Lfunc_end2:
_tile_overlayer_lowered:
.L_overlay_start_2:
0x18e: {  	(tag) =	ssettag $0x2  }
0x18f: {  	s0 =	rddreg [dreg:$0x0];
	s2 =	stileid.u32  }
0x190: {  	s1 =	rddreg [dreg:$0x1];
	p0 =	sne.s32 s2, $0x0  }
0x191: {  	s3 =	rddreg [dreg:$0x2];
	[bflag:$0x3] =	sbarrier.arrive $0xFFFF;
	s2 =	simm.s32 @!p0 $0x1C04  }
0x192: {  	[timem:s3], [sflag:s2] =	dma.local @!p0 [hbm:s0], s1  }
0x193: {  	s0 =	simm.s32 @!p0 $0x4  }
0x194: {  	_ =	swait.ge @!p0 [sflag:s0], s1  }
0x195: {  	s1 =	ssub.s32 @!p0 $0x0, s1;
	[sflag:s0] =	ssyncset.done @!p0 $0x0  }
0x196: {  	[sflag:s0] =	ssyncadd.s32 @!p0 s1  }
0x197: {  	[bflag:$0x3] =	sbarrier.arrive $0xFFFF  }
0x198: {  	_ =	shalt  }

</sc_bundles>
